<compile_context>
chip_gen: v7x
topology: tpu7x:2x2x1
jax: 0.10.2.dev20260603
libtpu: 0.0.44.dev20260713+nightly
codegen_flags: <defaults>
</compile_context>

<pallas_src>
import functools

import jax
import jax.numpy as jnp
from jax import lax
from jax.experimental import pallas as pl
from jax.experimental.pallas import tpu as pltpu
from jax.experimental.pallas import tpu_sc as plsc

N = 10000
E = 320000
D = 128

NC = 2
NS = 16
NW = NC * NS
CHUNK = 128
CPT = 80
E_PAD = NW * CPT * CHUNK
N_CHUNKS = E_PAD // CHUNK
N_PAD = 10112
RPT = N_PAD // NS
DUMMY = N

N_SPARE = N_PAD - N


def _sc_degree_body(dst_hbm, ones_hbm, zero_hbm, out_hbm, dst_v, ones_v, acc, sem):
    cid = lax.axis_index("c")
    sid = lax.axis_index("s")
    wid = sid * NC + cid
    pltpu.sync_copy(dst_hbm.at[pl.ds(wid * CPT, CPT)], dst_v)
    pltpu.sync_copy(ones_hbm, ones_v)
    pltpu.sync_copy(zero_hbm, acc.at[pl.ds(sid * RPT, RPT)])
    plsc.subcore_barrier()

    def body(j, carry):
        pltpu.sync_copy(ones_v, acc.at[dst_v.at[j]], add=True)
        return carry

    lax.fori_loop(0, CPT, body, 0, unroll=False)
    plsc.subcore_barrier()
    pltpu.sync_copy(
        acc.at[pl.ds(sid * RPT, RPT)], out_hbm.at[cid, pl.ds(sid * RPT, RPT)]
    )


def _sc_scatter_body(u_hbm, src_hbm, dst_hbm, zero_hbm, out_hbm,
                     src_v, dst_v, rows_v, acc, sem0, sem1):
    cid = lax.axis_index("c")
    sid = lax.axis_index("s")
    wid = sid * NC + cid
    sems = (sem0, sem1)
    half = CPT // 2

    pltpu.sync_copy(zero_hbm, acc.at[pl.ds(sid * RPT, RPT)])
    pltpu.sync_copy(dst_hbm.at[pl.ds(wid * CPT, CPT)], dst_v)
    plsc.subcore_barrier()

    for p in range(2):
        pltpu.sync_copy(
            src_hbm.at[pl.ds(wid * CPT + p * half, half)], src_v
        )
        pltpu.async_copy(u_hbm.at[src_v.at[0]], rows_v.at[0], sems[0])

        def body(j, carry):
            for b in range(2):
                k = 2 * j + b

                @pl.when(k + 1 < half)
                def _():
                    pltpu.async_copy(
                        u_hbm.at[src_v.at[k + 1]], rows_v.at[1 - b],
                        sems[1 - b]
                    )

                pltpu.make_async_copy(
                    u_hbm.at[src_v.at[k]], rows_v.at[b], sems[b]
                ).wait()
                pltpu.sync_copy(
                    rows_v.at[b], acc.at[dst_v.at[p * half + k]], add=True
                )
            return carry

        lax.fori_loop(0, half // 2, body, 0, unroll=False)

    plsc.subcore_barrier()
    pltpu.sync_copy(
        acc.at[pl.ds(sid * RPT, RPT)], out_hbm.at[cid, pl.ds(sid * RPT, RPT)]
    )


@functools.cache
def _sc_kernels():
    mesh = plsc.VectorSubcoreMesh(
        core_axis_name="c", subcore_axis_name="s", num_cores=NC, num_subcores=NS
    )
    sc_degree = pl.kernel(
        _sc_degree_body,
        mesh=mesh,
        out_type=jax.ShapeDtypeStruct((NC, N_PAD, D), jnp.float32),
        scratch_types=[
            pltpu.VMEM((CPT, CHUNK), jnp.int32),
            pltpu.VMEM((CHUNK, D), jnp.float32),
            pltpu.VMEM_SHARED((N_PAD, D), jnp.float32),
            pltpu.SemaphoreType.DMA,
        ],
    )
    sc_scatter = pl.kernel(
        _sc_scatter_body,
        mesh=mesh,
        out_type=jax.ShapeDtypeStruct((NC, N_PAD, D), jnp.float32),
        scratch_types=[
            pltpu.VMEM((CPT // 2, CHUNK), jnp.int32),
            pltpu.VMEM((CPT, CHUNK), jnp.int32),
            pltpu.VMEM((2, CHUNK, D), jnp.float32),
            pltpu.VMEM_SHARED((N_PAD, D), jnp.float32),
            pltpu.SemaphoreType.DMA,
            pltpu.SemaphoreType.DMA,
        ],
    )
    return sc_degree, sc_scatter


R = 1000
GRID = N // R


def _dinv(degp_ref):
    deg = degp_ref[0, :, 0:1] + degp_ref[1, :, 0:1] + 1.0
    return lax.rsqrt(deg)


def _t1_body(x_ref, w_ref, degp_ref, u_ref):
    h = jnp.dot(x_ref[...], w_ref[...],
                preferred_element_type=jnp.float32,
                precision=lax.Precision.HIGHEST)
    u_ref[...] = _dinv(degp_ref) * h


def _t2_body(s_ref, u_ref, degp_ref, w_ref, b_ref, o_ref):
    dinv = _dinv(degp_ref)
    z = jnp.maximum(dinv * (s_ref[0] + s_ref[1] + u_ref[...]) + b_ref[...], 0.0)
    h = jnp.dot(z, w_ref[...],
                preferred_element_type=jnp.float32,
                precision=lax.Precision.HIGHEST)
    o_ref[...] = dinv * h


def _t3_body(s_ref, u_ref, degp_ref, b_ref, o_ref):
    dinv = _dinv(degp_ref)
    o_ref[...] = dinv * (s_ref[0] + s_ref[1] + u_ref[...]) + b_ref[...]


_spec_rows = pl.BlockSpec((R, D), lambda i: (i, 0))
_spec_w = pl.BlockSpec((D, D), lambda i: (0, 0))
_spec_b = pl.BlockSpec((1, D), lambda i: (0, 0))
_spec_deg = pl.BlockSpec((2, R, D), lambda i: (0, i, 0))
_spec_s = pl.BlockSpec((2, R, D), lambda i: (0, i, 0))

_t1 = pl.pallas_call(
    _t1_body, grid=(GRID,),
    in_specs=[_spec_rows, _spec_w, _spec_deg],
    out_specs=_spec_rows,
    out_shape=jax.ShapeDtypeStruct((N, D), jnp.float32),
)
_t2 = pl.pallas_call(
    _t2_body, grid=(GRID,),
    in_specs=[_spec_s, _spec_rows, _spec_deg, _spec_w, _spec_b],
    out_specs=_spec_rows,
    out_shape=jax.ShapeDtypeStruct((N, D), jnp.float32),
)
_t3 = pl.pallas_call(
    _t3_body, grid=(GRID,),
    in_specs=[_spec_s, _spec_rows, _spec_deg, _spec_b],
    out_specs=_spec_rows,
    out_shape=jax.ShapeDtypeStruct((N, D), jnp.float32),
)


def kernel(x, edge_index, W1, b1, W2, b2):
    src = edge_index[0].astype(jnp.int32)
    dst = edge_index[1].astype(jnp.int32)
    pad = E_PAD - E
    pad_iota = jnp.arange(pad, dtype=jnp.int32)
    src = jnp.concatenate([src, pad_iota % N])
    dst = jnp.concatenate([dst, DUMMY + pad_iota % N_SPARE])
    src3 = src.reshape(N_CHUNKS, CHUNK)
    dst3 = dst.reshape(N_CHUNKS, CHUNK)

    ones_rows = jnp.ones((CHUNK, D), jnp.float32)
    zrow = jnp.zeros((RPT, D), jnp.float32)

    sc_degree, sc_scatter = _sc_kernels()
    degp = sc_degree(dst3, ones_rows, zrow)
    u1 = _t1(x, W1, degp)
    s1 = sc_scatter(u1, src3, dst3, zrow)
    u2 = _t2(s1, u1, degp, W2, b1.reshape(1, D))
    s2 = sc_scatter(u2, src3, dst3, zrow)
    out = _t3(s2, u2, degp, b2.reshape(1, D))
    return out

# --- scband reference (transcript-rebuilt; emitter-appended) ---
"""Pipeline reference for scband-transmutation-gnn-43181601194757 (READ-ONLY COPY).

The authoritative reference and input builder live on the scoring server;
editing this copy changes nothing except your own understanding.
"""

import jax, jax.numpy as jnp
import numpy as np

N = 10000
E = 320000
D_IN = 128
D_H = 128
D_OUT = 128


def gcn_conv(x, edge_index, W, b, num_nodes):
    # PyG-style GCNConv: add self-loops, symmetric normalization, scatter-add aggregation
    loop = jnp.arange(num_nodes, dtype=edge_index.dtype)
    src = jnp.concatenate([edge_index[0], loop])
    dst = jnp.concatenate([edge_index[1], loop])
    deg = jnp.zeros((num_nodes,), x.dtype).at[dst].add(1.0)
    deg_inv_sqrt = jnp.where(deg > 0, jax.lax.rsqrt(jnp.maximum(deg, 1.0)), 0.0)
    norm = deg_inv_sqrt[src] * deg_inv_sqrt[dst]
    h = x @ W
    msg = h[src] * norm[:, None]
    out = jnp.zeros((num_nodes, W.shape[1]), x.dtype).at[dst].add(msg)
    return out + b


def setup_inputs(seed: int = 0) -> dict:
    key = jax.random.key(seed)
    k1, k2, k3, k4 = jax.random.split(key, 4)
    x = jax.random.normal(k1, (N, D_IN), dtype=jnp.float32)
    edge_index = jax.random.randint(k2, (2, E), 0, N).astype(jnp.int64)
    W1 = jax.random.normal(k3, (D_IN, D_H), dtype=jnp.float32) * (1.0 / np.sqrt(D_IN))
    b1 = jnp.zeros((D_H,), dtype=jnp.float32)
    W2 = jax.random.normal(k4, (D_H, D_OUT), dtype=jnp.float32) * (1.0 / np.sqrt(D_H))
    b2 = jnp.zeros((D_OUT,), dtype=jnp.float32)
    return {"x": x, "edge_index": edge_index, "W1": W1, "b1": b1, "W2": W2, "b2": b2}


def reference(x, edge_index, W1, b1, W2, b2):
    h = jax.nn.relu(gcn_conv(x, edge_index, W1, b1, N))
    out = gcn_conv(h, edge_index, W2, b2, N)
    return out

if __name__ == "__main__":
    import jax
    _d = setup_inputs()
    print(jax.jit(kernel)(*tuple(_d.values())))

</pallas_src>

<mosaic_0001>
#map = affine_map<(d0, d1) -> (0, 0)>
#map1 = affine_map<(d0, d1) -> (0, 0, 0)>
module attributes {stable_mosaic.version = 14 : i64} {
  func.func @_sc_degree_body(%arg0: i32, %arg1: i32, %arg2: memref<2560x128xi32, #tpu.memory_space<hbm>>, %arg3: memref<128x128xf32, #tpu.memory_space<hbm>>, %arg4: memref<632x128xf32, #tpu.memory_space<hbm>>, %arg5: memref<2x10112x128xf32, #tpu.memory_space<hbm>>, %arg6: memref<80x128xi32, #tpu.memory_space<vmem>>, %arg7: memref<128x128xf32, #tpu.memory_space<vmem>>, %arg8: memref<10112x128xf32, #tpu.memory_space<vmem_shared>>, %arg9: memref<!tpu.dma_semaphore, #tpu.memory_space<semaphore_mem>>) attributes {dimension_semantics = [#tpu.dimension_semantics<core_parallel>, #tpu.dimension_semantics<subcore_parallel>], iteration_bounds = array<i64: 2, 16>, scalar_prefetch = 0 : i64, scratch_operands = 4 : i64, tpu.core_type = #tpu.core_type<sc_vector_subcore>, window_params = [{transform_indices = #map}, {transform_indices = #map}, {transform_indices = #map}, {transform_indices = #map1}]} {
    %mul3A = arith.constant 2 : i32
    %mul3A_0 = arith.muli %arg1, %mul3A : i32
    %add3A = arith.addi %mul3A_0, %arg0 : i32
    %mul3A_1 = arith.constant 80 : i32
    %mul3A_2 = arith.muli %add3A, %mul3A_1 : i32
    "tpu.region"() ({
      %run_scoped3A = tpu.sem_alloc : memref<!tpu.dma_semaphore, #tpu.memory_space<semaphore_mem>>
      %dma_start3A = arith.constant 0 : i32
      %dma_start3A_15 = tpu.memref_slice %arg2[%mul3A_2, %dma_start3A] : memref<2560x128xi32, #tpu.memory_space<hbm>> -> memref<80x128xi32, #tpu.memory_space<hbm>>
      %dma_start3A_16 = arith.constant 0 : i32
      %dma_start3A_17 = tpu.memref_slice %arg2[%mul3A_2, %dma_start3A_16] : memref<2560x128xi32, #tpu.memory_space<hbm>> -> memref<80x128xi32, #tpu.memory_space<hbm>>
      tpu.enqueue_dma source(%dma_start3A_17 : memref<80x128xi32, #tpu.memory_space<hbm>>) target(%arg6 : memref<80x128xi32, #tpu.memory_space<vmem>>) target_semaphore(%run_scoped3A : memref<!tpu.dma_semaphore, #tpu.memory_space<semaphore_mem>>)
      %dma_wait3A = arith.constant 0 : i32
      %dma_wait3A_18 = tpu.memref_slice %arg2[%mul3A_2, %dma_wait3A] : memref<2560x128xi32, #tpu.memory_space<hbm>> -> memref<80x128xi32, #tpu.memory_space<hbm>>
      %dma_wait3A_19 = arith.constant 0 : i32
      %dma_wait3A_20 = tpu.memref_slice %arg2[%mul3A_2, %dma_wait3A_19] : memref<2560x128xi32, #tpu.memory_space<hbm>> -> memref<80x128xi32, #tpu.memory_space<hbm>>
      tpu.wait_dma2 semaphore(%run_scoped3A : memref<!tpu.dma_semaphore, #tpu.memory_space<semaphore_mem>>) src(%dma_wait3A_20 : memref<80x128xi32, #tpu.memory_space<hbm>>) dst(%arg6 : memref<80x128xi32, #tpu.memory_space<vmem>>)
      tpu.yield
    }) : () -> ()
    "tpu.region"() ({
      %run_scoped3A = tpu.sem_alloc : memref<!tpu.dma_semaphore, #tpu.memory_space<semaphore_mem>>
      tpu.enqueue_dma source(%arg3 : memref<128x128xf32, #tpu.memory_space<hbm>>) target(%arg7 : memref<128x128xf32, #tpu.memory_space<vmem>>) target_semaphore(%run_scoped3A : memref<!tpu.dma_semaphore, #tpu.memory_space<semaphore_mem>>)
      tpu.wait_dma2 semaphore(%run_scoped3A : memref<!tpu.dma_semaphore, #tpu.memory_space<semaphore_mem>>) src(%arg3 : memref<128x128xf32, #tpu.memory_space<hbm>>) dst(%arg7 : memref<128x128xf32, #tpu.memory_space<vmem>>)
      tpu.yield
    }) : () -> ()
    %mul3A_3 = arith.constant 632 : i32
    %mul3A_4 = arith.muli %arg1, %mul3A_3 : i32
    "tpu.region"() ({
      %run_scoped3A = tpu.sem_alloc : memref<!tpu.dma_semaphore, #tpu.memory_space<semaphore_mem>>
      %dma_start3A = arith.constant 0 : i32
      %dma_start3A_15 = tpu.memref_slice %arg8[%mul3A_4, %dma_start3A] : memref<10112x128xf32, #tpu.memory_space<vmem_shared>> -> memref<632x128xf32, #tpu.memory_space<vmem_shared>>
      tpu.enqueue_dma source(%arg4 : memref<632x128xf32, #tpu.memory_space<hbm>>) target(%dma_start3A_15 : memref<632x128xf32, #tpu.memory_space<vmem_shared>>) target_semaphore(%run_scoped3A : memref<!tpu.dma_semaphore, #tpu.memory_space<semaphore_mem>>)
      %dma_wait3A = arith.constant 0 : i32
      %dma_wait3A_16 = tpu.memref_slice %arg8[%mul3A_4, %dma_wait3A] : memref<10112x128xf32, #tpu.memory_space<vmem_shared>> -> memref<632x128xf32, #tpu.memory_space<vmem_shared>>
      tpu.wait_dma2 semaphore(%run_scoped3A : memref<!tpu.dma_semaphore, #tpu.memory_space<semaphore_mem>>) src(%arg4 : memref<632x128xf32, #tpu.memory_space<hbm>>) dst(%dma_wait3A_16 : memref<632x128xf32, #tpu.memory_space<vmem_shared>>)
      tpu.yield
    }) : () -> ()
    %barrier3A = arith.constant 0 : index
    tpu.barrier barrier_id(%barrier3A)
    %scan3A = arith.constant 0 : i32
    %scan3A_5 = arith.constant 0 : i32
    %scan3A_6 = arith.constant 80 : i32
    %scan3A_7 = arith.addi %scan3A_5, %scan3A_6 : i32
    %scan3A_8 = arith.constant 1 : i32
    scf.for %scan3A_15 = %scan3A_5 to %scan3A_7 step %scan3A_8  : i32 {
      "tpu.region"() ({
        %run_scoped3A = tpu.sem_alloc : memref<!tpu.dma_semaphore, #tpu.memory_space<semaphore_mem>>
        %dma_start3A = arith.constant 0 : i32
        %dma_start3A_16 = tpu.memref_slice %arg6[%scan3A_15, %dma_start3A] : memref<80x128xi32, #tpu.memory_space<vmem>> -> memref<1x128xi32, #tpu.memory_space<vmem>>
        %dma_start3A_17 = tpu.memref_squeeze %dma_start3A_16 : memref<1x128xi32, #tpu.memory_space<vmem>> -> memref<128xi32, #tpu.memory_space<vmem>>
        %dma_start3A_18 = arith.constant 0 : i32
        %dma_start3A_19 = arith.constant 0 : i32
        %dma_start3A_20 = tpu.memref_slice %arg8[%dma_start3A_18, %dma_start3A_19] : memref<10112x128xf32, #tpu.memory_space<vmem_shared>> -> memref<10112x128xf32, #tpu.memory_space<vmem_shared>>
        tpu.enqueue_indirect_dma source(%arg7 : memref<128x128xf32, #tpu.memory_space<vmem>>) target(%dma_start3A_20 : memref<10112x128xf32, #tpu.memory_space<vmem_shared>>) offsets(%dma_start3A_17 : memref<128xi32, #tpu.memory_space<vmem>>) semaphore(%run_scoped3A : memref<!tpu.dma_semaphore, #tpu.memory_space<semaphore_mem>>) {add = true}
        %dma_wait3A = arith.constant 0 : i32
        %dma_wait3A_21 = tpu.memref_slice %arg6[%scan3A_15, %dma_wait3A] : memref<80x128xi32, #tpu.memory_space<vmem>> -> memref<1x128xi32, #tpu.memory_space<vmem>>
        %dma_wait3A_22 = tpu.memref_squeeze %dma_wait3A_21 : memref<1x128xi32, #tpu.memory_space<vmem>> -> memref<128xi32, #tpu.memory_space<vmem>>
        %dma_wait3A_23 = arith.constant 0 : i32
        %dma_wait3A_24 = arith.constant 0 : i32
        %dma_wait3A_25 = tpu.memref_slice %arg8[%dma_wait3A_23, %dma_wait3A_24] : memref<10112x128xf32, #tpu.memory_space<vmem_shared>> -> memref<10112x128xf32, #tpu.memory_space<vmem_shared>>
        tpu.wait_indirect_dma semaphore(%run_scoped3A : memref<!tpu.dma_semaphore, #tpu.memory_space<semaphore_mem>>) src(%arg7 : memref<128x128xf32, #tpu.memory_space<vmem>>) dst(%dma_wait3A_25 : memref<10112x128xf32, #tpu.memory_space<vmem_shared>>)
        tpu.yield
      }) : () -> ()
    }
    %scan3A_9 = arith.constant 80 : i32
    %barrier3A_10 = arith.constant 0 : index
    tpu.barrier barrier_id(%barrier3A_10)
    %mul3A_11 = arith.constant 632 : i32
    %mul3A_12 = arith.muli %arg1, %mul3A_11 : i32
    %mul3A_13 = arith.constant 632 : i32
    %mul3A_14 = arith.muli %arg1, %mul3A_13 : i32
    "tpu.region"() ({
      %run_scoped3A = tpu.sem_alloc : memref<!tpu.dma_semaphore, #tpu.memory_space<semaphore_mem>>
      %dma_start3A = arith.constant 0 : i32
      %dma_start3A_15 = tpu.memref_slice %arg5[%arg0, %mul3A_14, %dma_start3A] : memref<2x10112x128xf32, #tpu.memory_space<hbm>> -> memref<1x632x128xf32, #tpu.memory_space<hbm>>
      %dma_start3A_16 = tpu.memref_squeeze %dma_start3A_15 : memref<1x632x128xf32, #tpu.memory_space<hbm>> -> memref<632x128xf32, #tpu.memory_space<hbm>>
      %dma_start3A_17 = arith.constant 0 : i32
      %dma_start3A_18 = tpu.memref_slice %arg8[%mul3A_12, %dma_start3A_17] : memref<10112x128xf32, #tpu.memory_space<vmem_shared>> -> memref<632x128xf32, #tpu.memory_space<vmem_shared>>
      tpu.enqueue_dma source(%dma_start3A_18 : memref<632x128xf32, #tpu.memory_space<vmem_shared>>) target(%dma_start3A_16 : memref<632x128xf32, #tpu.memory_space<hbm>>) target_semaphore(%run_scoped3A : memref<!tpu.dma_semaphore, #tpu.memory_space<semaphore_mem>>)
      %dma_wait3A = arith.constant 0 : i32
      %dma_wait3A_19 = tpu.memref_slice %arg5[%arg0, %mul3A_14, %dma_wait3A] : memref<2x10112x128xf32, #tpu.memory_space<hbm>> -> memref<1x632x128xf32, #tpu.memory_space<hbm>>
      %dma_wait3A_20 = tpu.memref_squeeze %dma_wait3A_19 : memref<1x632x128xf32, #tpu.memory_space<hbm>> -> memref<632x128xf32, #tpu.memory_space<hbm>>
      %dma_wait3A_21 = arith.constant 0 : i32
      %dma_wait3A_22 = tpu.memref_slice %arg8[%mul3A_12, %dma_wait3A_21] : memref<10112x128xf32, #tpu.memory_space<vmem_shared>> -> memref<632x128xf32, #tpu.memory_space<vmem_shared>>
      tpu.wait_dma2 semaphore(%run_scoped3A : memref<!tpu.dma_semaphore, #tpu.memory_space<semaphore_mem>>) src(%dma_wait3A_22 : memref<632x128xf32, #tpu.memory_space<vmem_shared>>) dst(%dma_wait3A_20 : memref<632x128xf32, #tpu.memory_space<hbm>>)
      tpu.yield
    }) : () -> ()
    return
  }
}

#map = affine_map<(d0, d1) -> (0, 0)>
#map1 = affine_map<(d0, d1) -> (0, 0, 0)>
module attributes {stable_mosaic.version = 14 : i64} {
  func.func @_sc_scatter_body(%arg0: i32, %arg1: i32, %arg2: memref<10000x128xf32, #tpu.memory_space<hbm>>, %arg3: memref<2560x128xi32, #tpu.memory_space<hbm>>, %arg4: memref<2560x128xi32, #tpu.memory_space<hbm>>, %arg5: memref<632x128xf32, #tpu.memory_space<hbm>>, %arg6: memref<2x10112x128xf32, #tpu.memory_space<hbm>>, %arg7: memref<40x128xi32, #tpu.memory_space<vmem>>, %arg8: memref<80x128xi32, #tpu.memory_space<vmem>>, %arg9: memref<2x128x128xf32, #tpu.memory_space<vmem>>, %arg10: memref<10112x128xf32, #tpu.memory_space<vmem_shared>>, %arg11: memref<!tpu.dma_semaphore, #tpu.memory_space<semaphore_mem>>, %arg12: memref<!tpu.dma_semaphore, #tpu.memory_space<semaphore_mem>>) attributes {dimension_semantics = [#tpu.dimension_semantics<core_parallel>, #tpu.dimension_semantics<subcore_parallel>], iteration_bounds = array<i64: 2, 16>, scalar_prefetch = 0 : i64, scratch_operands = 6 : i64, tpu.core_type = #tpu.core_type<sc_vector_subcore>, window_params = [{transform_indices = #map}, {transform_indices = #map}, {transform_indices = #map}, {transform_indices = #map}, {transform_indices = #map1}]} {
    %mul3A = arith.constant 2 : i32
    %mul3A_0 = arith.muli %arg1, %mul3A : i32
    %add3A = arith.addi %mul3A_0, %arg0 : i32
    %mul3A_1 = arith.constant 632 : i32
    %mul3A_2 = arith.muli %arg1, %mul3A_1 : i32
    "tpu.region"() ({
      %run_scoped3A = tpu.sem_alloc : memref<!tpu.dma_semaphore, #tpu.memory_space<semaphore_mem>>
      %dma_start3A_52 = arith.constant 0 : i32
      %dma_start3A_53 = tpu.memref_slice %arg10[%mul3A_2, %dma_start3A_52] : memref<10112x128xf32, #tpu.memory_space<vmem_shared>> -> memref<632x128xf32, #tpu.memory_space<vmem_shared>>
      tpu.enqueue_dma source(%arg5 : memref<632x128xf32, #tpu.memory_space<hbm>>) target(%dma_start3A_53 : memref<632x128xf32, #tpu.memory_space<vmem_shared>>) target_semaphore(%run_scoped3A : memref<!tpu.dma_semaphore, #tpu.memory_space<semaphore_mem>>)
      %dma_wait3A = arith.constant 0 : i32
      %dma_wait3A_54 = tpu.memref_slice %arg10[%mul3A_2, %dma_wait3A] : memref<10112x128xf32, #tpu.memory_space<vmem_shared>> -> memref<632x128xf32, #tpu.memory_space<vmem_shared>>
      tpu.wait_dma2 semaphore(%run_scoped3A : memref<!tpu.dma_semaphore, #tpu.memory_space<semaphore_mem>>) src(%arg5 : memref<632x128xf32, #tpu.memory_space<hbm>>) dst(%dma_wait3A_54 : memref<632x128xf32, #tpu.memory_space<vmem_shared>>)
      tpu.yield
    }) : () -> ()
    %mul3A_3 = arith.constant 80 : i32
    %mul3A_4 = arith.muli %add3A, %mul3A_3 : i32
    "tpu.region"() ({
      %run_scoped3A = tpu.sem_alloc : memref<!tpu.dma_semaphore, #tpu.memory_space<semaphore_mem>>
      %dma_start3A_52 = arith.constant 0 : i32
      %dma_start3A_53 = tpu.memref_slice %arg4[%mul3A_4, %dma_start3A_52] : memref<2560x128xi32, #tpu.memory_space<hbm>> -> memref<80x128xi32, #tpu.memory_space<hbm>>
      %dma_start3A_54 = arith.constant 0 : i32
      %dma_start3A_55 = tpu.memref_slice %arg4[%mul3A_4, %dma_start3A_54] : memref<2560x128xi32, #tpu.memory_space<hbm>> -> memref<80x128xi32, #tpu.memory_space<hbm>>
      tpu.enqueue_dma source(%dma_start3A_55 : memref<80x128xi32, #tpu.memory_space<hbm>>) target(%arg8 : memref<80x128xi32, #tpu.memory_space<vmem>>) target_semaphore(%run_scoped3A : memref<!tpu.dma_semaphore, #tpu.memory_space<semaphore_mem>>)
      %dma_wait3A = arith.constant 0 : i32
      %dma_wait3A_56 = tpu.memref_slice %arg4[%mul3A_4, %dma_wait3A] : memref<2560x128xi32, #tpu.memory_space<hbm>> -> memref<80x128xi32, #tpu.memory_space<hbm>>
      %dma_wait3A_57 = arith.constant 0 : i32
      %dma_wait3A_58 = tpu.memref_slice %arg4[%mul3A_4, %dma_wait3A_57] : memref<2560x128xi32, #tpu.memory_space<hbm>> -> memref<80x128xi32, #tpu.memory_space<hbm>>
      tpu.wait_dma2 semaphore(%run_scoped3A : memref<!tpu.dma_semaphore, #tpu.memory_space<semaphore_mem>>) src(%dma_wait3A_58 : memref<80x128xi32, #tpu.memory_space<hbm>>) dst(%arg8 : memref<80x128xi32, #tpu.memory_space<vmem>>)
      tpu.yield
    }) : () -> ()
    %barrier3A = arith.constant 0 : index
    tpu.barrier barrier_id(%barrier3A)
    %mul3A_5 = arith.constant 80 : i32
    %mul3A_6 = arith.muli %add3A, %mul3A_5 : i32
    %add3A_7 = arith.constant 0 : i32
    %add3A_8 = arith.addi %mul3A_6, %add3A_7 : i32
    "tpu.region"() ({
      %run_scoped3A = tpu.sem_alloc : memref<!tpu.dma_semaphore, #tpu.memory_space<semaphore_mem>>
      %dma_start3A_52 = arith.constant 0 : i32
      %dma_start3A_53 = tpu.memref_slice %arg3[%add3A_8, %dma_start3A_52] : memref<2560x128xi32, #tpu.memory_space<hbm>> -> memref<40x128xi32, #tpu.memory_space<hbm>>
      %dma_start3A_54 = arith.constant 0 : i32
      %dma_start3A_55 = tpu.memref_slice %arg3[%add3A_8, %dma_start3A_54] : memref<2560x128xi32, #tpu.memory_space<hbm>> -> memref<40x128xi32, #tpu.memory_space<hbm>>
      tpu.enqueue_dma source(%dma_start3A_55 : memref<40x128xi32, #tpu.memory_space<hbm>>) target(%arg7 : memref<40x128xi32, #tpu.memory_space<vmem>>) target_semaphore(%run_scoped3A : memref<!tpu.dma_semaphore, #tpu.memory_space<semaphore_mem>>)
      %dma_wait3A = arith.constant 0 : i32
      %dma_wait3A_56 = tpu.memref_slice %arg3[%add3A_8, %dma_wait3A] : memref<2560x128xi32, #tpu.memory_space<hbm>> -> memref<40x128xi32, #tpu.memory_space<hbm>>
      %dma_wait3A_57 = arith.constant 0 : i32
      %dma_wait3A_58 = tpu.memref_slice %arg3[%add3A_8, %dma_wait3A_57] : memref<2560x128xi32, #tpu.memory_space<hbm>> -> memref<40x128xi32, #tpu.memory_space<hbm>>
      tpu.wait_dma2 semaphore(%run_scoped3A : memref<!tpu.dma_semaphore, #tpu.memory_space<semaphore_mem>>) src(%dma_wait3A_58 : memref<40x128xi32, #tpu.memory_space<hbm>>) dst(%arg7 : memref<40x128xi32, #tpu.memory_space<vmem>>)
      tpu.yield
    }) : () -> ()
    %dma_start3A = arith.constant 0 : i32
    %dma_start3A_9 = arith.constant 0 : i32
    %dma_start3A_10 = arith.constant 0 : i32
    %dma_start3A_11 = arith.constant 0 : i32
    %dma_start3A_12 = tpu.memref_slice %arg9[%dma_start3A_9, %dma_start3A_10, %dma_start3A_11] : memref<2x128x128xf32, #tpu.memory_space<vmem>> -> memref<1x128x128xf32, #tpu.memory_space<vmem>>
    %dma_start3A_13 = tpu.memref_squeeze %dma_start3A_12 : memref<1x128x128xf32, #tpu.memory_space<vmem>> -> memref<128x128xf32, #tpu.memory_space<vmem>>
    %dma_start3A_14 = arith.constant 0 : i32
    %dma_start3A_15 = tpu.memref_slice %arg7[%dma_start3A, %dma_start3A_14] : memref<40x128xi32, #tpu.memory_space<vmem>> -> memref<1x128xi32, #tpu.memory_space<vmem>>
    %dma_start3A_16 = tpu.memref_squeeze %dma_start3A_15 : memref<1x128xi32, #tpu.memory_space<vmem>> -> memref<128xi32, #tpu.memory_space<vmem>>
    %dma_start3A_17 = arith.constant 0 : i32
    %dma_start3A_18 = arith.constant 0 : i32
    %dma_start3A_19 = tpu.memref_slice %arg2[%dma_start3A_17, %dma_start3A_18] : memref<10000x128xf32, #tpu.memory_space<hbm>> -> memref<10000x128xf32, #tpu.memory_space<hbm>>
    tpu.enqueue_indirect_dma source(%dma_start3A_19 : memref<10000x128xf32, #tpu.memory_space<hbm>>) target(%dma_start3A_13 : memref<128x128xf32, #tpu.memory_space<vmem>>) offsets(%dma_start3A_16 : memref<128xi32, #tpu.memory_space<vmem>>) semaphore(%arg11 : memref<!tpu.dma_semaphore, #tpu.memory_space<semaphore_mem>>)
    %scan3A = arith.constant 0 : i32
    %scan3A_20 = arith.constant 0 : i32
    %scan3A_21 = arith.constant 20 : i32
    %scan3A_22 = arith.addi %scan3A_20, %scan3A_21 : i32
    %scan3A_23 = arith.constant 1 : i32
    scf.for %scan3A_52 = %scan3A_20 to %scan3A_22 step %scan3A_23  : i32 {
      %mul3A_53 = arith.constant 2 : i32
      %mul3A_54 = arith.muli %mul3A_53, %scan3A_52 : i32
      %add3A_55 = arith.constant 0 : i32
      %add3A_56 = arith.addi %mul3A_54, %add3A_55 : i32
      %add3A_57 = arith.constant 1 : i32
      %add3A_58 = arith.addi %add3A_56, %add3A_57 : i32
      %lt3A = arith.constant 40 : i32
      %lt3A_59 = arith.cmpi slt, %add3A_58, %lt3A : i32
      %convert_element_type3A = arith.extui %lt3A_59 : i1 to i32
      %cond3A = arith.constant 0 : i32
      %cond3A_60 = arith.cmpi ne, %convert_element_type3A, %cond3A : i32
      scf.if %cond3A_60 {
        %add3A_98 = arith.constant 1 : i32
        %add3A_99 = arith.addi %add3A_56, %add3A_98 : i32
        %dma_start3A_100 = arith.constant 1 : i32
        %dma_start3A_101 = arith.constant 0 : i32
        %dma_start3A_102 = arith.constant 0 : i32
        %dma_start3A_103 = tpu.memref_slice %arg9[%dma_start3A_100, %dma_start3A_101, %dma_start3A_102] : memref<2x128x128xf32, #tpu.memory_space<vmem>> -> memref<1x128x128xf32, #tpu.memory_space<vmem>>
        %dma_start3A_104 = tpu.memref_squeeze %dma_start3A_103 : memref<1x128x128xf32, #tpu.memory_space<vmem>> -> memref<128x128xf32, #tpu.memory_space<vmem>>
        %dma_start3A_105 = arith.constant 0 : i32
        %dma_start3A_106 = tpu.memref_slice %arg7[%add3A_99, %dma_start3A_105] : memref<40x128xi32, #tpu.memory_space<vmem>> -> memref<1x128xi32, #tpu.memory_space<vmem>>
        %dma_start3A_107 = tpu.memref_squeeze %dma_start3A_106 : memref<1x128xi32, #tpu.memory_space<vmem>> -> memref<128xi32, #tpu.memory_space<vmem>>
        %dma_start3A_108 = arith.constant 0 : i32
        %dma_start3A_109 = arith.constant 0 : i32
        %dma_start3A_110 = tpu.memref_slice %arg2[%dma_start3A_108, %dma_start3A_109] : memref<10000x128xf32, #tpu.memory_space<hbm>> -> memref<10000x128xf32, #tpu.memory_space<hbm>>
        tpu.enqueue_indirect_dma source(%dma_start3A_110 : memref<10000x128xf32, #tpu.memory_space<hbm>>) target(%dma_start3A_104 : memref<128x128xf32, #tpu.memory_space<vmem>>) offsets(%dma_start3A_107 : memref<128xi32, #tpu.memory_space<vmem>>) semaphore(%arg12 : memref<!tpu.dma_semaphore, #tpu.memory_space<semaphore_mem>>)
      } else {
      }
      %dma_wait3A = arith.constant 0 : i32
      %dma_wait3A_61 = arith.constant 0 : i32
      %dma_wait3A_62 = arith.constant 0 : i32
      %dma_wait3A_63 = tpu.memref_slice %arg9[%dma_wait3A, %dma_wait3A_61, %dma_wait3A_62] : memref<2x128x128xf32, #tpu.memory_space<vmem>> -> memref<1x128x128xf32, #tpu.memory_space<vmem>>
      %dma_wait3A_64 = tpu.memref_squeeze %dma_wait3A_63 : memref<1x128x128xf32, #tpu.memory_space<vmem>> -> memref<128x128xf32, #tpu.memory_space<vmem>>
      %dma_wait3A_65 = arith.constant 0 : i32
      %dma_wait3A_66 = tpu.memref_slice %arg7[%add3A_56, %dma_wait3A_65] : memref<40x128xi32, #tpu.memory_space<vmem>> -> memref<1x128xi32, #tpu.memory_space<vmem>>
      %dma_wait3A_67 = tpu.memref_squeeze %dma_wait3A_66 : memref<1x128xi32, #tpu.memory_space<vmem>> -> memref<128xi32, #tpu.memory_space<vmem>>
      %dma_wait3A_68 = arith.constant 0 : i32
      %dma_wait3A_69 = arith.constant 0 : i32
      %dma_wait3A_70 = tpu.memref_slice %arg2[%dma_wait3A_68, %dma_wait3A_69] : memref<10000x128xf32, #tpu.memory_space<hbm>> -> memref<10000x128xf32, #tpu.memory_space<hbm>>
      tpu.wait_indirect_dma semaphore(%arg11 : memref<!tpu.dma_semaphore, #tpu.memory_space<semaphore_mem>>) src(%dma_wait3A_70 : memref<10000x128xf32, #tpu.memory_space<hbm>>) dst(%dma_wait3A_64 : memref<128x128xf32, #tpu.memory_space<vmem>>)
      %add3A_71 = arith.constant 0 : i32
      %add3A_72 = arith.addi %add3A_71, %add3A_56 : i32
      %run_scoped3A = arith.constant 0 : i32
      "tpu.region"() ({
        %run_scoped3A_98 = tpu.sem_alloc : memref<!tpu.dma_semaphore, #tpu.memory_space<semaphore_mem>>
        %dma_start3A_99 = arith.constant 0 : i32
        %dma_start3A_100 = arith.constant 0 : i32
        %dma_start3A_101 = tpu.memref_slice %arg9[%run_scoped3A, %dma_start3A_99, %dma_start3A_100] : memref<2x128x128xf32, #tpu.memory_space<vmem>> -> memref<1x128x128xf32, #tpu.memory_space<vmem>>
        %dma_start3A_102 = tpu.memref_squeeze %dma_start3A_101 : memref<1x128x128xf32, #tpu.memory_space<vmem>> -> memref<128x128xf32, #tpu.memory_space<vmem>>
        %dma_start3A_103 = arith.constant 0 : i32
        %dma_start3A_104 = tpu.memref_slice %arg8[%add3A_72, %dma_start3A_103] : memref<80x128xi32, #tpu.memory_space<vmem>> -> memref<1x128xi32, #tpu.memory_space<vmem>>
        %dma_start3A_105 = tpu.memref_squeeze %dma_start3A_104 : memref<1x128xi32, #tpu.memory_space<vmem>> -> memref<128xi32, #tpu.memory_space<vmem>>
        %dma_start3A_106 = arith.constant 0 : i32
        %dma_start3A_107 = arith.constant 0 : i32
        %dma_start3A_108 = tpu.memref_slice %arg10[%dma_start3A_106, %dma_start3A_107] : memref<10112x128xf32, #tpu.memory_space<vmem_shared>> -> memref<10112x128xf32, #tpu.memory_space<vmem_shared>>
        tpu.enqueue_indirect_dma source(%dma_start3A_102 : memref<128x128xf32, #tpu.memory_space<vmem>>) target(%dma_start3A_108 : memref<10112x128xf32, #tpu.memory_space<vmem_shared>>) offsets(%dma_start3A_105 : memref<128xi32, #tpu.memory_space<vmem>>) semaphore(%run_scoped3A_98 : memref<!tpu.dma_semaphore, #tpu.memory_space<semaphore_mem>>) {add = true}
        %dma_wait3A_109 = arith.constant 0 : i32
        %dma_wait3A_110 = arith.constant 0 : i32
        %dma_wait3A_111 = tpu.memref_slice %arg9[%run_scoped3A, %dma_wait3A_109, %dma_wait3A_110] : memref<2x128x128xf32, #tpu.memory_space<vmem>> -> memref<1x128x128xf32, #tpu.memory_space<vmem>>
        %dma_wait3A_112 = tpu.memref_squeeze %dma_wait3A_111 : memref<1x128x128xf32, #tpu.memory_space<vmem>> -> memref<128x128xf32, #tpu.memory_space<vmem>>
        %dma_wait3A_113 = arith.constant 0 : i32
        %dma_wait3A_114 = tpu.memref_slice %arg8[%add3A_72, %dma_wait3A_113] : memref<80x128xi32, #tpu.memory_space<vmem>> -> memref<1x128xi32, #tpu.memory_space<vmem>>
        %dma_wait3A_115 = tpu.memref_squeeze %dma_wait3A_114 : memref<1x128xi32, #tpu.memory_space<vmem>> -> memref<128xi32, #tpu.memory_space<vmem>>
        %dma_wait3A_116 = arith.constant 0 : i32
        %dma_wait3A_117 = arith.constant 0 : i32
        %dma_wait3A_118 = tpu.memref_slice %arg10[%dma_wait3A_116, %dma_wait3A_117] : memref<10112x128xf32, #tpu.memory_space<vmem_shared>> -> memref<10112x128xf32, #tpu.memory_space<vmem_shared>>
        tpu.wait_indirect_dma semaphore(%run_scoped3A_98 : memref<!tpu.dma_semaphore, #tpu.memory_space<semaphore_mem>>) src(%dma_wait3A_112 : memref<128x128xf32, #tpu.memory_space<vmem>>) dst(%dma_wait3A_118 : memref<10112x128xf32, #tpu.memory_space<vmem_shared>>)
        tpu.yield
      }) : () -> ()
      %mul3A_73 = arith.constant 2 : i32
      %mul3A_74 = arith.muli %mul3A_73, %scan3A_52 : i32
      %add3A_75 = arith.constant 1 : i32
      %add3A_76 = arith.addi %mul3A_74, %add3A_75 : i32
      %add3A_77 = arith.constant 1 : i32
      %add3A_78 = arith.addi %add3A_76, %add3A_77 : i32
      %lt3A_79 = arith.constant 40 : i32
      %lt3A_80 = arith.cmpi slt, %add3A_78, %lt3A_79 : i32
      %convert_element_type3A_81 = arith.extui %lt3A_80 : i1 to i32
      %cond3A_82 = arith.constant 0 : i32
      %cond3A_83 = arith.cmpi ne, %convert_element_type3A_81, %cond3A_82 : i32
      scf.if %cond3A_83 {
        %add3A_98 = arith.constant 1 : i32
        %add3A_99 = arith.addi %add3A_76, %add3A_98 : i32
        %dma_start3A_100 = arith.constant 0 : i32
        %dma_start3A_101 = arith.constant 0 : i32
        %dma_start3A_102 = arith.constant 0 : i32
        %dma_start3A_103 = tpu.memref_slice %arg9[%dma_start3A_100, %dma_start3A_101, %dma_start3A_102] : memref<2x128x128xf32, #tpu.memory_space<vmem>> -> memref<1x128x128xf32, #tpu.memory_space<vmem>>
        %dma_start3A_104 = tpu.memref_squeeze %dma_start3A_103 : memref<1x128x128xf32, #tpu.memory_space<vmem>> -> memref<128x128xf32, #tpu.memory_space<vmem>>
        %dma_start3A_105 = arith.constant 0 : i32
        %dma_start3A_106 = tpu.memref_slice %arg7[%add3A_99, %dma_start3A_105] : memref<40x128xi32, #tpu.memory_space<vmem>> -> memref<1x128xi32, #tpu.memory_space<vmem>>
        %dma_start3A_107 = tpu.memref_squeeze %dma_start3A_106 : memref<1x128xi32, #tpu.memory_space<vmem>> -> memref<128xi32, #tpu.memory_space<vmem>>
        %dma_start3A_108 = arith.constant 0 : i32
        %dma_start3A_109 = arith.constant 0 : i32
        %dma_start3A_110 = tpu.memref_slice %arg2[%dma_start3A_108, %dma_start3A_109] : memref<10000x128xf32, #tpu.memory_space<hbm>> -> memref<10000x128xf32, #tpu.memory_space<hbm>>
        tpu.enqueue_indirect_dma source(%dma_start3A_110 : memref<10000x128xf32, #tpu.memory_space<hbm>>) target(%dma_start3A_104 : memref<128x128xf32, #tpu.memory_space<vmem>>) offsets(%dma_start3A_107 : memref<128xi32, #tpu.memory_space<vmem>>) semaphore(%arg11 : memref<!tpu.dma_semaphore, #tpu.memory_space<semaphore_mem>>)
      } else {
      }
      %dma_wait3A_84 = arith.constant 1 : i32
      %dma_wait3A_85 = arith.constant 0 : i32
      %dma_wait3A_86 = arith.constant 0 : i32
      %dma_wait3A_87 = tpu.memref_slice %arg9[%dma_wait3A_84, %dma_wait3A_85, %dma_wait3A_86] : memref<2x128x128xf32, #tpu.memory_space<vmem>> -> memref<1x128x128xf32, #tpu.memory_space<vmem>>
      %dma_wait3A_88 = tpu.memref_squeeze %dma_wait3A_87 : memref<1x128x128xf32, #tpu.memory_space<vmem>> -> memref<128x128xf32, #tpu.memory_space<vmem>>
      %dma_wait3A_89 = arith.constant 0 : i32
      %dma_wait3A_90 = tpu.memref_slice %arg7[%add3A_76, %dma_wait3A_89] : memref<40x128xi32, #tpu.memory_space<vmem>> -> memref<1x128xi32, #tpu.memory_space<vmem>>
      %dma_wait3A_91 = tpu.memref_squeeze %dma_wait3A_90 : memref<1x128xi32, #tpu.memory_space<vmem>> -> memref<128xi32, #tpu.memory_space<vmem>>
      %dma_wait3A_92 = arith.constant 0 : i32
      %dma_wait3A_93 = arith.constant 0 : i32
      %dma_wait3A_94 = tpu.memref_slice %arg2[%dma_wait3A_92, %dma_wait3A_93] : memref<10000x128xf32, #tpu.memory_space<hbm>> -> memref<10000x128xf32, #tpu.memory_space<hbm>>
      tpu.wait_indirect_dma semaphore(%arg12 : memref<!tpu.dma_semaphore, #tpu.memory_space<semaphore_mem>>) src(%dma_wait3A_94 : memref<10000x128xf32, #tpu.memory_space<hbm>>) dst(%dma_wait3A_88 : memref<128x128xf32, #tpu.memory_space<vmem>>)
      %add3A_95 = arith.constant 0 : i32
      %add3A_96 = arith.addi %add3A_95, %add3A_76 : i32
      %run_scoped3A_97 = arith.constant 1 : i32
      "tpu.region"() ({
        %run_scoped3A_98 = tpu.sem_alloc : memref<!tpu.dma_semaphore, #tpu.memory_space<semaphore_mem>>
        %dma_start3A_99 = arith.constant 0 : i32
        %dma_start3A_100 = arith.constant 0 : i32
        %dma_start3A_101 = tpu.memref_slice %arg9[%run_scoped3A_97, %dma_start3A_99, %dma_start3A_100] : memref<2x128x128xf32, #tpu.memory_space<vmem>> -> memref<1x128x128xf32, #tpu.memory_space<vmem>>
        %dma_start3A_102 = tpu.memref_squeeze %dma_start3A_101 : memref<1x128x128xf32, #tpu.memory_space<vmem>> -> memref<128x128xf32, #tpu.memory_space<vmem>>
        %dma_start3A_103 = arith.constant 0 : i32
        %dma_start3A_104 = tpu.memref_slice %arg8[%add3A_96, %dma_start3A_103] : memref<80x128xi32, #tpu.memory_space<vmem>> -> memref<1x128xi32, #tpu.memory_space<vmem>>
        %dma_start3A_105 = tpu.memref_squeeze %dma_start3A_104 : memref<1x128xi32, #tpu.memory_space<vmem>> -> memref<128xi32, #tpu.memory_space<vmem>>
        %dma_start3A_106 = arith.constant 0 : i32
        %dma_start3A_107 = arith.constant 0 : i32
        %dma_start3A_108 = tpu.memref_slice %arg10[%dma_start3A_106, %dma_start3A_107] : memref<10112x128xf32, #tpu.memory_space<vmem_shared>> -> memref<10112x128xf32, #tpu.memory_space<vmem_shared>>
        tpu.enqueue_indirect_dma source(%dma_start3A_102 : memref<128x128xf32, #tpu.memory_space<vmem>>) target(%dma_start3A_108 : memref<10112x128xf32, #tpu.memory_space<vmem_shared>>) offsets(%dma_start3A_105 : memref<128xi32, #tpu.memory_space<vmem>>) semaphore(%run_scoped3A_98 : memref<!tpu.dma_semaphore, #tpu.memory_space<semaphore_mem>>) {add = true}
        %dma_wait3A_109 = arith.constant 0 : i32
        %dma_wait3A_110 = arith.constant 0 : i32
        %dma_wait3A_111 = tpu.memref_slice %arg9[%run_scoped3A_97, %dma_wait3A_109, %dma_wait3A_110] : memref<2x128x128xf32, #tpu.memory_space<vmem>> -> memref<1x128x128xf32, #tpu.memory_space<vmem>>
        %dma_wait3A_112 = tpu.memref_squeeze %dma_wait3A_111 : memref<1x128x128xf32, #tpu.memory_space<vmem>> -> memref<128x128xf32, #tpu.memory_space<vmem>>
        %dma_wait3A_113 = arith.constant 0 : i32
        %dma_wait3A_114 = tpu.memref_slice %arg8[%add3A_96, %dma_wait3A_113] : memref<80x128xi32, #tpu.memory_space<vmem>> -> memref<1x128xi32, #tpu.memory_space<vmem>>
        %dma_wait3A_115 = tpu.memref_squeeze %dma_wait3A_114 : memref<1x128xi32, #tpu.memory_space<vmem>> -> memref<128xi32, #tpu.memory_space<vmem>>
        %dma_wait3A_116 = arith.constant 0 : i32
        %dma_wait3A_117 = arith.constant 0 : i32
        %dma_wait3A_118 = tpu.memref_slice %arg10[%dma_wait3A_116, %dma_wait3A_117] : memref<10112x128xf32, #tpu.memory_space<vmem_shared>> -> memref<10112x128xf32, #tpu.memory_space<vmem_shared>>
        tpu.wait_indirect_dma semaphore(%run_scoped3A_98 : memref<!tpu.dma_semaphore, #tpu.memory_space<semaphore_mem>>) src(%dma_wait3A_112 : memref<128x128xf32, #tpu.memory_space<vmem>>) dst(%dma_wait3A_118 : memref<10112x128xf32, #tpu.memory_space<vmem_shared>>)
        tpu.yield
      }) : () -> ()
    }
    %scan3A_24 = arith.constant 20 : i32
    %mul3A_25 = arith.constant 80 : i32
    %mul3A_26 = arith.muli %add3A, %mul3A_25 : i32
    %add3A_27 = arith.constant 40 : i32
    %add3A_28 = arith.addi %mul3A_26, %add3A_27 : i32
    "tpu.region"() ({
      %run_scoped3A = tpu.sem_alloc : memref<!tpu.dma_semaphore, #tpu.memory_space<semaphore_mem>>
      %dma_start3A_52 = arith.constant 0 : i32
      %dma_start3A_53 = tpu.memref_slice %arg3[%add3A_28, %dma_start3A_52] : memref<2560x128xi32, #tpu.memory_space<hbm>> -> memref<40x128xi32, #tpu.memory_space<hbm>>
      %dma_start3A_54 = arith.constant 0 : i32
      %dma_start3A_55 = tpu.memref_slice %arg3[%add3A_28, %dma_start3A_54] : memref<2560x128xi32, #tpu.memory_space<hbm>> -> memref<40x128xi32, #tpu.memory_space<hbm>>
      tpu.enqueue_dma source(%dma_start3A_55 : memref<40x128xi32, #tpu.memory_space<hbm>>) target(%arg7 : memref<40x128xi32, #tpu.memory_space<vmem>>) target_semaphore(%run_scoped3A : memref<!tpu.dma_semaphore, #tpu.memory_space<semaphore_mem>>)
      %dma_wait3A = arith.constant 0 : i32
      %dma_wait3A_56 = tpu.memref_slice %arg3[%add3A_28, %dma_wait3A] : memref<2560x128xi32, #tpu.memory_space<hbm>> -> memref<40x128xi32, #tpu.memory_space<hbm>>
      %dma_wait3A_57 = arith.constant 0 : i32
      %dma_wait3A_58 = tpu.memref_slice %arg3[%add3A_28, %dma_wait3A_57] : memref<2560x128xi32, #tpu.memory_space<hbm>> -> memref<40x128xi32, #tpu.memory_space<hbm>>
      tpu.wait_dma2 semaphore(%run_scoped3A : memref<!tpu.dma_semaphore, #tpu.memory_space<semaphore_mem>>) src(%dma_wait3A_58 : memref<40x128xi32, #tpu.memory_space<hbm>>) dst(%arg7 : memref<40x128xi32, #tpu.memory_space<vmem>>)
      tpu.yield
    }) : () -> ()
    %dma_start3A_29 = arith.constant 0 : i32
    %dma_start3A_30 = arith.constant 0 : i32
    %dma_start3A_31 = arith.constant 0 : i32
    %dma_start3A_32 = arith.constant 0 : i32
    %dma_start3A_33 = tpu.memref_slice %arg9[%dma_start3A_30, %dma_start3A_31, %dma_start3A_32] : memref<2x128x128xf32, #tpu.memory_space<vmem>> -> memref<1x128x128xf32, #tpu.memory_space<vmem>>
    %dma_start3A_34 = tpu.memref_squeeze %dma_start3A_33 : memref<1x128x128xf32, #tpu.memory_space<vmem>> -> memref<128x128xf32, #tpu.memory_space<vmem>>
    %dma_start3A_35 = arith.constant 0 : i32
    %dma_start3A_36 = tpu.memref_slice %arg7[%dma_start3A_29, %dma_start3A_35] : memref<40x128xi32, #tpu.memory_space<vmem>> -> memref<1x128xi32, #tpu.memory_space<vmem>>
    %dma_start3A_37 = tpu.memref_squeeze %dma_start3A_36 : memref<1x128xi32, #tpu.memory_space<vmem>> -> memref<128xi32, #tpu.memory_space<vmem>>
    %dma_start3A_38 = arith.constant 0 : i32
    %dma_start3A_39 = arith.constant 0 : i32
    %dma_start3A_40 = tpu.memref_slice %arg2[%dma_start3A_38, %dma_start3A_39] : memref<10000x128xf32, #tpu.memory_space<hbm>> -> memref<10000x128xf32, #tpu.memory_space<hbm>>
    tpu.enqueue_indirect_dma source(%dma_start3A_40 : memref<10000x128xf32, #tpu.memory_space<hbm>>) target(%dma_start3A_34 : memref<128x128xf32, #tpu.memory_space<vmem>>) offsets(%dma_start3A_37 : memref<128xi32, #tpu.memory_space<vmem>>) semaphore(%arg11 : memref<!tpu.dma_semaphore, #tpu.memory_space<semaphore_mem>>)
    %scan3A_41 = arith.constant 0 : i32
    %scan3A_42 = arith.constant 0 : i32
    %scan3A_43 = arith.constant 20 : i32
    %scan3A_44 = arith.addi %scan3A_42, %scan3A_43 : i32
    %scan3A_45 = arith.constant 1 : i32
    scf.for %scan3A_52 = %scan3A_42 to %scan3A_44 step %scan3A_45  : i32 {
      %mul3A_53 = arith.constant 2 : i32
      %mul3A_54 = arith.muli %mul3A_53, %scan3A_52 : i32
      %add3A_55 = arith.constant 0 : i32
      %add3A_56 = arith.addi %mul3A_54, %add3A_55 : i32
      %add3A_57 = arith.constant 1 : i32
      %add3A_58 = arith.addi %add3A_56, %add3A_57 : i32
      %lt3A = arith.constant 40 : i32
      %lt3A_59 = arith.cmpi slt, %add3A_58, %lt3A : i32
      %convert_element_type3A = arith.extui %lt3A_59 : i1 to i32
      %cond3A = arith.constant 0 : i32
      %cond3A_60 = arith.cmpi ne, %convert_element_type3A, %cond3A : i32
      scf.if %cond3A_60 {
        %add3A_98 = arith.constant 1 : i32
        %add3A_99 = arith.addi %add3A_56, %add3A_98 : i32
        %dma_start3A_100 = arith.constant 1 : i32
        %dma_start3A_101 = arith.constant 0 : i32
        %dma_start3A_102 = arith.constant 0 : i32
        %dma_start3A_103 = tpu.memref_slice %arg9[%dma_start3A_100, %dma_start3A_101, %dma_start3A_102] : memref<2x128x128xf32, #tpu.memory_space<vmem>> -> memref<1x128x128xf32, #tpu.memory_space<vmem>>
        %dma_start3A_104 = tpu.memref_squeeze %dma_start3A_103 : memref<1x128x128xf32, #tpu.memory_space<vmem>> -> memref<128x128xf32, #tpu.memory_space<vmem>>
        %dma_start3A_105 = arith.constant 0 : i32
        %dma_start3A_106 = tpu.memref_slice %arg7[%add3A_99, %dma_start3A_105] : memref<40x128xi32, #tpu.memory_space<vmem>> -> memref<1x128xi32, #tpu.memory_space<vmem>>
        %dma_start3A_107 = tpu.memref_squeeze %dma_start3A_106 : memref<1x128xi32, #tpu.memory_space<vmem>> -> memref<128xi32, #tpu.memory_space<vmem>>
        %dma_start3A_108 = arith.constant 0 : i32
        %dma_start3A_109 = arith.constant 0 : i32
        %dma_start3A_110 = tpu.memref_slice %arg2[%dma_start3A_108, %dma_start3A_109] : memref<10000x128xf32, #tpu.memory_space<hbm>> -> memref<10000x128xf32, #tpu.memory_space<hbm>>
        tpu.enqueue_indirect_dma source(%dma_start3A_110 : memref<10000x128xf32, #tpu.memory_space<hbm>>) target(%dma_start3A_104 : memref<128x128xf32, #tpu.memory_space<vmem>>) offsets(%dma_start3A_107 : memref<128xi32, #tpu.memory_space<vmem>>) semaphore(%arg12 : memref<!tpu.dma_semaphore, #tpu.memory_space<semaphore_mem>>)
      } else {
      }
      %dma_wait3A = arith.constant 0 : i32
      %dma_wait3A_61 = arith.constant 0 : i32
      %dma_wait3A_62 = arith.constant 0 : i32
      %dma_wait3A_63 = tpu.memref_slice %arg9[%dma_wait3A, %dma_wait3A_61, %dma_wait3A_62] : memref<2x128x128xf32, #tpu.memory_space<vmem>> -> memref<1x128x128xf32, #tpu.memory_space<vmem>>
      %dma_wait3A_64 = tpu.memref_squeeze %dma_wait3A_63 : memref<1x128x128xf32, #tpu.memory_space<vmem>> -> memref<128x128xf32, #tpu.memory_space<vmem>>
      %dma_wait3A_65 = arith.constant 0 : i32
      %dma_wait3A_66 = tpu.memref_slice %arg7[%add3A_56, %dma_wait3A_65] : memref<40x128xi32, #tpu.memory_space<vmem>> -> memref<1x128xi32, #tpu.memory_space<vmem>>
      %dma_wait3A_67 = tpu.memref_squeeze %dma_wait3A_66 : memref<1x128xi32, #tpu.memory_space<vmem>> -> memref<128xi32, #tpu.memory_space<vmem>>
      %dma_wait3A_68 = arith.constant 0 : i32
      %dma_wait3A_69 = arith.constant 0 : i32
      %dma_wait3A_70 = tpu.memref_slice %arg2[%dma_wait3A_68, %dma_wait3A_69] : memref<10000x128xf32, #tpu.memory_space<hbm>> -> memref<10000x128xf32, #tpu.memory_space<hbm>>
      tpu.wait_indirect_dma semaphore(%arg11 : memref<!tpu.dma_semaphore, #tpu.memory_space<semaphore_mem>>) src(%dma_wait3A_70 : memref<10000x128xf32, #tpu.memory_space<hbm>>) dst(%dma_wait3A_64 : memref<128x128xf32, #tpu.memory_space<vmem>>)
      %add3A_71 = arith.constant 40 : i32
      %add3A_72 = arith.addi %add3A_71, %add3A_56 : i32
      %run_scoped3A = arith.constant 0 : i32
      "tpu.region"() ({
        %run_scoped3A_98 = tpu.sem_alloc : memref<!tpu.dma_semaphore, #tpu.memory_space<semaphore_mem>>
        %dma_start3A_99 = arith.constant 0 : i32
        %dma_start3A_100 = arith.constant 0 : i32
        %dma_start3A_101 = tpu.memref_slice %arg9[%run_scoped3A, %dma_start3A_99, %dma_start3A_100] : memref<2x128x128xf32, #tpu.memory_space<vmem>> -> memref<1x128x128xf32, #tpu.memory_space<vmem>>
        %dma_start3A_102 = tpu.memref_squeeze %dma_start3A_101 : memref<1x128x128xf32, #tpu.memory_space<vmem>> -> memref<128x128xf32, #tpu.memory_space<vmem>>
        %dma_start3A_103 = arith.constant 0 : i32
        %dma_start3A_104 = tpu.memref_slice %arg8[%add3A_72, %dma_start3A_103] : memref<80x128xi32, #tpu.memory_space<vmem>> -> memref<1x128xi32, #tpu.memory_space<vmem>>
        %dma_start3A_105 = tpu.memref_squeeze %dma_start3A_104 : memref<1x128xi32, #tpu.memory_space<vmem>> -> memref<128xi32, #tpu.memory_space<vmem>>
        %dma_start3A_106 = arith.constant 0 : i32
        %dma_start3A_107 = arith.constant 0 : i32
        %dma_start3A_108 = tpu.memref_slice %arg10[%dma_start3A_106, %dma_start3A_107] : memref<10112x128xf32, #tpu.memory_space<vmem_shared>> -> memref<10112x128xf32, #tpu.memory_space<vmem_shared>>
        tpu.enqueue_indirect_dma source(%dma_start3A_102 : memref<128x128xf32, #tpu.memory_space<vmem>>) target(%dma_start3A_108 : memref<10112x128xf32, #tpu.memory_space<vmem_shared>>) offsets(%dma_start3A_105 : memref<128xi32, #tpu.memory_space<vmem>>) semaphore(%run_scoped3A_98 : memref<!tpu.dma_semaphore, #tpu.memory_space<semaphore_mem>>) {add = true}
        %dma_wait3A_109 = arith.constant 0 : i32
        %dma_wait3A_110 = arith.constant 0 : i32
        %dma_wait3A_111 = tpu.memref_slice %arg9[%run_scoped3A, %dma_wait3A_109, %dma_wait3A_110] : memref<2x128x128xf32, #tpu.memory_space<vmem>> -> memref<1x128x128xf32, #tpu.memory_space<vmem>>
        %dma_wait3A_112 = tpu.memref_squeeze %dma_wait3A_111 : memref<1x128x128xf32, #tpu.memory_space<vmem>> -> memref<128x128xf32, #tpu.memory_space<vmem>>
        %dma_wait3A_113 = arith.constant 0 : i32
        %dma_wait3A_114 = tpu.memref_slice %arg8[%add3A_72, %dma_wait3A_113] : memref<80x128xi32, #tpu.memory_space<vmem>> -> memref<1x128xi32, #tpu.memory_space<vmem>>
        %dma_wait3A_115 = tpu.memref_squeeze %dma_wait3A_114 : memref<1x128xi32, #tpu.memory_space<vmem>> -> memref<128xi32, #tpu.memory_space<vmem>>
        %dma_wait3A_116 = arith.constant 0 : i32
        %dma_wait3A_117 = arith.constant 0 : i32
        %dma_wait3A_118 = tpu.memref_slice %arg10[%dma_wait3A_116, %dma_wait3A_117] : memref<10112x128xf32, #tpu.memory_space<vmem_shared>> -> memref<10112x128xf32, #tpu.memory_space<vmem_shared>>
        tpu.wait_indirect_dma semaphore(%run_scoped3A_98 : memref<!tpu.dma_semaphore, #tpu.memory_space<semaphore_mem>>) src(%dma_wait3A_112 : memref<128x128xf32, #tpu.memory_space<vmem>>) dst(%dma_wait3A_118 : memref<10112x128xf32, #tpu.memory_space<vmem_shared>>)
        tpu.yield
      }) : () -> ()
      %mul3A_73 = arith.constant 2 : i32
      %mul3A_74 = arith.muli %mul3A_73, %scan3A_52 : i32
      %add3A_75 = arith.constant 1 : i32
      %add3A_76 = arith.addi %mul3A_74, %add3A_75 : i32
      %add3A_77 = arith.constant 1 : i32
      %add3A_78 = arith.addi %add3A_76, %add3A_77 : i32
      %lt3A_79 = arith.constant 40 : i32
      %lt3A_80 = arith.cmpi slt, %add3A_78, %lt3A_79 : i32
      %convert_element_type3A_81 = arith.extui %lt3A_80 : i1 to i32
      %cond3A_82 = arith.constant 0 : i32
      %cond3A_83 = arith.cmpi ne, %convert_element_type3A_81, %cond3A_82 : i32
      scf.if %cond3A_83 {
        %add3A_98 = arith.constant 1 : i32
        %add3A_99 = arith.addi %add3A_76, %add3A_98 : i32
        %dma_start3A_100 = arith.constant 0 : i32
        %dma_start3A_101 = arith.constant 0 : i32
        %dma_start3A_102 = arith.constant 0 : i32
        %dma_start3A_103 = tpu.memref_slice %arg9[%dma_start3A_100, %dma_start3A_101, %dma_start3A_102] : memref<2x128x128xf32, #tpu.memory_space<vmem>> -> memref<1x128x128xf32, #tpu.memory_space<vmem>>
        %dma_start3A_104 = tpu.memref_squeeze %dma_start3A_103 : memref<1x128x128xf32, #tpu.memory_space<vmem>> -> memref<128x128xf32, #tpu.memory_space<vmem>>
        %dma_start3A_105 = arith.constant 0 : i32
        %dma_start3A_106 = tpu.memref_slice %arg7[%add3A_99, %dma_start3A_105] : memref<40x128xi32, #tpu.memory_space<vmem>> -> memref<1x128xi32, #tpu.memory_space<vmem>>
        %dma_start3A_107 = tpu.memref_squeeze %dma_start3A_106 : memref<1x128xi32, #tpu.memory_space<vmem>> -> memref<128xi32, #tpu.memory_space<vmem>>
        %dma_start3A_108 = arith.constant 0 : i32
        %dma_start3A_109 = arith.constant 0 : i32
        %dma_start3A_110 = tpu.memref_slice %arg2[%dma_start3A_108, %dma_start3A_109] : memref<10000x128xf32, #tpu.memory_space<hbm>> -> memref<10000x128xf32, #tpu.memory_space<hbm>>
        tpu.enqueue_indirect_dma source(%dma_start3A_110 : memref<10000x128xf32, #tpu.memory_space<hbm>>) target(%dma_start3A_104 : memref<128x128xf32, #tpu.memory_space<vmem>>) offsets(%dma_start3A_107 : memref<128xi32, #tpu.memory_space<vmem>>) semaphore(%arg11 : memref<!tpu.dma_semaphore, #tpu.memory_space<semaphore_mem>>)
      } else {
      }
      %dma_wait3A_84 = arith.constant 1 : i32
      %dma_wait3A_85 = arith.constant 0 : i32
      %dma_wait3A_86 = arith.constant 0 : i32
      %dma_wait3A_87 = tpu.memref_slice %arg9[%dma_wait3A_84, %dma_wait3A_85, %dma_wait3A_86] : memref<2x128x128xf32, #tpu.memory_space<vmem>> -> memref<1x128x128xf32, #tpu.memory_space<vmem>>
      %dma_wait3A_88 = tpu.memref_squeeze %dma_wait3A_87 : memref<1x128x128xf32, #tpu.memory_space<vmem>> -> memref<128x128xf32, #tpu.memory_space<vmem>>
      %dma_wait3A_89 = arith.constant 0 : i32
      %dma_wait3A_90 = tpu.memref_slice %arg7[%add3A_76, %dma_wait3A_89] : memref<40x128xi32, #tpu.memory_space<vmem>> -> memref<1x128xi32, #tpu.memory_space<vmem>>
      %dma_wait3A_91 = tpu.memref_squeeze %dma_wait3A_90 : memref<1x128xi32, #tpu.memory_space<vmem>> -> memref<128xi32, #tpu.memory_space<vmem>>
      %dma_wait3A_92 = arith.constant 0 : i32
      %dma_wait3A_93 = arith.constant 0 : i32
      %dma_wait3A_94 = tpu.memref_slice %arg2[%dma_wait3A_92, %dma_wait3A_93] : memref<10000x128xf32, #tpu.memory_space<hbm>> -> memref<10000x128xf32, #tpu.memory_space<hbm>>
      tpu.wait_indirect_dma semaphore(%arg12 : memref<!tpu.dma_semaphore, #tpu.memory_space<semaphore_mem>>) src(%dma_wait3A_94 : memref<10000x128xf32, #tpu.memory_space<hbm>>) dst(%dma_wait3A_88 : memref<128x128xf32, #tpu.memory_space<vmem>>)
      %add3A_95 = arith.constant 40 : i32
      %add3A_96 = arith.addi %add3A_95, %add3A_76 : i32
      %run_scoped3A_97 = arith.constant 1 : i32
      "tpu.region"() ({
        %run_scoped3A_98 = tpu.sem_alloc : memref<!tpu.dma_semaphore, #tpu.memory_space<semaphore_mem>>
        %dma_start3A_99 = arith.constant 0 : i32
        %dma_start3A_100 = arith.constant 0 : i32
        %dma_start3A_101 = tpu.memref_slice %arg9[%run_scoped3A_97, %dma_start3A_99, %dma_start3A_100] : memref<2x128x128xf32, #tpu.memory_space<vmem>> -> memref<1x128x128xf32, #tpu.memory_space<vmem>>
        %dma_start3A_102 = tpu.memref_squeeze %dma_start3A_101 : memref<1x128x128xf32, #tpu.memory_space<vmem>> -> memref<128x128xf32, #tpu.memory_space<vmem>>
        %dma_start3A_103 = arith.constant 0 : i32
        %dma_start3A_104 = tpu.memref_slice %arg8[%add3A_96, %dma_start3A_103] : memref<80x128xi32, #tpu.memory_space<vmem>> -> memref<1x128xi32, #tpu.memory_space<vmem>>
        %dma_start3A_105 = tpu.memref_squeeze %dma_start3A_104 : memref<1x128xi32, #tpu.memory_space<vmem>> -> memref<128xi32, #tpu.memory_space<vmem>>
        %dma_start3A_106 = arith.constant 0 : i32
        %dma_start3A_107 = arith.constant 0 : i32
        %dma_start3A_108 = tpu.memref_slice %arg10[%dma_start3A_106, %dma_start3A_107] : memref<10112x128xf32, #tpu.memory_space<vmem_shared>> -> memref<10112x128xf32, #tpu.memory_space<vmem_shared>>
        tpu.enqueue_indirect_dma source(%dma_start3A_102 : memref<128x128xf32, #tpu.memory_space<vmem>>) target(%dma_start3A_108 : memref<10112x128xf32, #tpu.memory_space<vmem_shared>>) offsets(%dma_start3A_105 : memref<128xi32, #tpu.memory_space<vmem>>) semaphore(%run_scoped3A_98 : memref<!tpu.dma_semaphore, #tpu.memory_space<semaphore_mem>>) {add = true}
        %dma_wait3A_109 = arith.constant 0 : i32
        %dma_wait3A_110 = arith.constant 0 : i32
        %dma_wait3A_111 = tpu.memref_slice %arg9[%run_scoped3A_97, %dma_wait3A_109, %dma_wait3A_110] : memref<2x128x128xf32, #tpu.memory_space<vmem>> -> memref<1x128x128xf32, #tpu.memory_space<vmem>>
        %dma_wait3A_112 = tpu.memref_squeeze %dma_wait3A_111 : memref<1x128x128xf32, #tpu.memory_space<vmem>> -> memref<128x128xf32, #tpu.memory_space<vmem>>
        %dma_wait3A_113 = arith.constant 0 : i32
        %dma_wait3A_114 = tpu.memref_slice %arg8[%add3A_96, %dma_wait3A_113] : memref<80x128xi32, #tpu.memory_space<vmem>> -> memref<1x128xi32, #tpu.memory_space<vmem>>
        %dma_wait3A_115 = tpu.memref_squeeze %dma_wait3A_114 : memref<1x128xi32, #tpu.memory_space<vmem>> -> memref<128xi32, #tpu.memory_space<vmem>>
        %dma_wait3A_116 = arith.constant 0 : i32
        %dma_wait3A_117 = arith.constant 0 : i32
        %dma_wait3A_118 = tpu.memref_slice %arg10[%dma_wait3A_116, %dma_wait3A_117] : memref<10112x128xf32, #tpu.memory_space<vmem_shared>> -> memref<10112x128xf32, #tpu.memory_space<vmem_shared>>
        tpu.wait_indirect_dma semaphore(%run_scoped3A_98 : memref<!tpu.dma_semaphore, #tpu.memory_space<semaphore_mem>>) src(%dma_wait3A_112 : memref<128x128xf32, #tpu.memory_space<vmem>>) dst(%dma_wait3A_118 : memref<10112x128xf32, #tpu.memory_space<vmem_shared>>)
        tpu.yield
      }) : () -> ()
    }
    %scan3A_46 = arith.constant 20 : i32
    %barrier3A_47 = arith.constant 0 : index
    tpu.barrier barrier_id(%barrier3A_47)
    %mul3A_48 = arith.constant 632 : i32
    %mul3A_49 = arith.muli %arg1, %mul3A_48 : i32
    %mul3A_50 = arith.constant 632 : i32
    %mul3A_51 = arith.muli %arg1, %mul3A_50 : i32
    "tpu.region"() ({
      %run_scoped3A = tpu.sem_alloc : memref<!tpu.dma_semaphore, #tpu.memory_space<semaphore_mem>>
      %dma_start3A_52 = arith.constant 0 : i32
      %dma_start3A_53 = tpu.memref_slice %arg6[%arg0, %mul3A_51, %dma_start3A_52] : memref<2x10112x128xf32, #tpu.memory_space<hbm>> -> memref<1x632x128xf32, #tpu.memory_space<hbm>>
      %dma_start3A_54 = tpu.memref_squeeze %dma_start3A_53 : memref<1x632x128xf32, #tpu.memory_space<hbm>> -> memref<632x128xf32, #tpu.memory_space<hbm>>
      %dma_start3A_55 = arith.constant 0 : i32
      %dma_start3A_56 = tpu.memref_slice %arg10[%mul3A_49, %dma_start3A_55] : memref<10112x128xf32, #tpu.memory_space<vmem_shared>> -> memref<632x128xf32, #tpu.memory_space<vmem_shared>>
      tpu.enqueue_dma source(%dma_start3A_56 : memref<632x128xf32, #tpu.memory_space<vmem_shared>>) target(%dma_start3A_54 : memref<632x128xf32, #tpu.memory_space<hbm>>) target_semaphore(%run_scoped3A : memref<!tpu.dma_semaphore, #tpu.memory_space<semaphore_mem>>)
      %dma_wait3A = arith.constant 0 : i32
      %dma_wait3A_57 = tpu.memref_slice %arg6[%arg0, %mul3A_51, %dma_wait3A] : memref<2x10112x128xf32, #tpu.memory_space<hbm>> -> memref<1x632x128xf32, #tpu.memory_space<hbm>>
      %dma_wait3A_58 = tpu.memref_squeeze %dma_wait3A_57 : memref<1x632x128xf32, #tpu.memory_space<hbm>> -> memref<632x128xf32, #tpu.memory_space<hbm>>
      %dma_wait3A_59 = arith.constant 0 : i32
      %dma_wait3A_60 = tpu.memref_slice %arg10[%mul3A_49, %dma_wait3A_59] : memref<10112x128xf32, #tpu.memory_space<vmem_shared>> -> memref<632x128xf32, #tpu.memory_space<vmem_shared>>
      tpu.wait_dma2 semaphore(%run_scoped3A : memref<!tpu.dma_semaphore, #tpu.memory_space<semaphore_mem>>) src(%dma_wait3A_60 : memref<632x128xf32, #tpu.memory_space<vmem_shared>>) dst(%dma_wait3A_58 : memref<632x128xf32, #tpu.memory_space<hbm>>)
      tpu.yield
    }) : () -> ()
    return
  }
}

#map = affine_map<(d0, d1) -> (0, 0)>
#map1 = affine_map<(d0, d1) -> (0, 0, 0)>
module attributes {stable_mosaic.version = 14 : i64} {
  func.func @_sc_scatter_body(%arg0: i32, %arg1: i32, %arg2: memref<10000x128xf32, #tpu.memory_space<hbm>>, %arg3: memref<2560x128xi32, #tpu.memory_space<hbm>>, %arg4: memref<2560x128xi32, #tpu.memory_space<hbm>>, %arg5: memref<632x128xf32, #tpu.memory_space<hbm>>, %arg6: memref<2x10112x128xf32, #tpu.memory_space<hbm>>, %arg7: memref<40x128xi32, #tpu.memory_space<vmem>>, %arg8: memref<80x128xi32, #tpu.memory_space<vmem>>, %arg9: memref<2x128x128xf32, #tpu.memory_space<vmem>>, %arg10: memref<10112x128xf32, #tpu.memory_space<vmem_shared>>, %arg11: memref<!tpu.dma_semaphore, #tpu.memory_space<semaphore_mem>>, %arg12: memref<!tpu.dma_semaphore, #tpu.memory_space<semaphore_mem>>) attributes {dimension_semantics = [#tpu.dimension_semantics<core_parallel>, #tpu.dimension_semantics<subcore_parallel>], iteration_bounds = array<i64: 2, 16>, scalar_prefetch = 0 : i64, scratch_operands = 6 : i64, tpu.core_type = #tpu.core_type<sc_vector_subcore>, window_params = [{transform_indices = #map}, {transform_indices = #map}, {transform_indices = #map}, {transform_indices = #map}, {transform_indices = #map1}]} {
    %mul3A = arith.constant 2 : i32
    %mul3A_0 = arith.muli %arg1, %mul3A : i32
    %add3A = arith.addi %mul3A_0, %arg0 : i32
    %mul3A_1 = arith.constant 632 : i32
    %mul3A_2 = arith.muli %arg1, %mul3A_1 : i32
    "tpu.region"() ({
      %run_scoped3A = tpu.sem_alloc : memref<!tpu.dma_semaphore, #tpu.memory_space<semaphore_mem>>
      %dma_start3A_52 = arith.constant 0 : i32
      %dma_start3A_53 = tpu.memref_slice %arg10[%mul3A_2, %dma_start3A_52] : memref<10112x128xf32, #tpu.memory_space<vmem_shared>> -> memref<632x128xf32, #tpu.memory_space<vmem_shared>>
      tpu.enqueue_dma source(%arg5 : memref<632x128xf32, #tpu.memory_space<hbm>>) target(%dma_start3A_53 : memref<632x128xf32, #tpu.memory_space<vmem_shared>>) target_semaphore(%run_scoped3A : memref<!tpu.dma_semaphore, #tpu.memory_space<semaphore_mem>>)
      %dma_wait3A = arith.constant 0 : i32
      %dma_wait3A_54 = tpu.memref_slice %arg10[%mul3A_2, %dma_wait3A] : memref<10112x128xf32, #tpu.memory_space<vmem_shared>> -> memref<632x128xf32, #tpu.memory_space<vmem_shared>>
      tpu.wait_dma2 semaphore(%run_scoped3A : memref<!tpu.dma_semaphore, #tpu.memory_space<semaphore_mem>>) src(%arg5 : memref<632x128xf32, #tpu.memory_space<hbm>>) dst(%dma_wait3A_54 : memref<632x128xf32, #tpu.memory_space<vmem_shared>>)
      tpu.yield
    }) : () -> ()
    %mul3A_3 = arith.constant 80 : i32
    %mul3A_4 = arith.muli %add3A, %mul3A_3 : i32
    "tpu.region"() ({
      %run_scoped3A = tpu.sem_alloc : memref<!tpu.dma_semaphore, #tpu.memory_space<semaphore_mem>>
      %dma_start3A_52 = arith.constant 0 : i32
      %dma_start3A_53 = tpu.memref_slice %arg4[%mul3A_4, %dma_start3A_52] : memref<2560x128xi32, #tpu.memory_space<hbm>> -> memref<80x128xi32, #tpu.memory_space<hbm>>
      %dma_start3A_54 = arith.constant 0 : i32
      %dma_start3A_55 = tpu.memref_slice %arg4[%mul3A_4, %dma_start3A_54] : memref<2560x128xi32, #tpu.memory_space<hbm>> -> memref<80x128xi32, #tpu.memory_space<hbm>>
      tpu.enqueue_dma source(%dma_start3A_55 : memref<80x128xi32, #tpu.memory_space<hbm>>) target(%arg8 : memref<80x128xi32, #tpu.memory_space<vmem>>) target_semaphore(%run_scoped3A : memref<!tpu.dma_semaphore, #tpu.memory_space<semaphore_mem>>)
      %dma_wait3A = arith.constant 0 : i32
      %dma_wait3A_56 = tpu.memref_slice %arg4[%mul3A_4, %dma_wait3A] : memref<2560x128xi32, #tpu.memory_space<hbm>> -> memref<80x128xi32, #tpu.memory_space<hbm>>
      %dma_wait3A_57 = arith.constant 0 : i32
      %dma_wait3A_58 = tpu.memref_slice %arg4[%mul3A_4, %dma_wait3A_57] : memref<2560x128xi32, #tpu.memory_space<hbm>> -> memref<80x128xi32, #tpu.memory_space<hbm>>
      tpu.wait_dma2 semaphore(%run_scoped3A : memref<!tpu.dma_semaphore, #tpu.memory_space<semaphore_mem>>) src(%dma_wait3A_58 : memref<80x128xi32, #tpu.memory_space<hbm>>) dst(%arg8 : memref<80x128xi32, #tpu.memory_space<vmem>>)
      tpu.yield
    }) : () -> ()
    %barrier3A = arith.constant 0 : index
    tpu.barrier barrier_id(%barrier3A)
    %mul3A_5 = arith.constant 80 : i32
    %mul3A_6 = arith.muli %add3A, %mul3A_5 : i32
    %add3A_7 = arith.constant 0 : i32
    %add3A_8 = arith.addi %mul3A_6, %add3A_7 : i32
    "tpu.region"() ({
      %run_scoped3A = tpu.sem_alloc : memref<!tpu.dma_semaphore, #tpu.memory_space<semaphore_mem>>
      %dma_start3A_52 = arith.constant 0 : i32
      %dma_start3A_53 = tpu.memref_slice %arg3[%add3A_8, %dma_start3A_52] : memref<2560x128xi32, #tpu.memory_space<hbm>> -> memref<40x128xi32, #tpu.memory_space<hbm>>
      %dma_start3A_54 = arith.constant 0 : i32
      %dma_start3A_55 = tpu.memref_slice %arg3[%add3A_8, %dma_start3A_54] : memref<2560x128xi32, #tpu.memory_space<hbm>> -> memref<40x128xi32, #tpu.memory_space<hbm>>
      tpu.enqueue_dma source(%dma_start3A_55 : memref<40x128xi32, #tpu.memory_space<hbm>>) target(%arg7 : memref<40x128xi32, #tpu.memory_space<vmem>>) target_semaphore(%run_scoped3A : memref<!tpu.dma_semaphore, #tpu.memory_space<semaphore_mem>>)
      %dma_wait3A = arith.constant 0 : i32
      %dma_wait3A_56 = tpu.memref_slice %arg3[%add3A_8, %dma_wait3A] : memref<2560x128xi32, #tpu.memory_space<hbm>> -> memref<40x128xi32, #tpu.memory_space<hbm>>
      %dma_wait3A_57 = arith.constant 0 : i32
      %dma_wait3A_58 = tpu.memref_slice %arg3[%add3A_8, %dma_wait3A_57] : memref<2560x128xi32, #tpu.memory_space<hbm>> -> memref<40x128xi32, #tpu.memory_space<hbm>>
      tpu.wait_dma2 semaphore(%run_scoped3A : memref<!tpu.dma_semaphore, #tpu.memory_space<semaphore_mem>>) src(%dma_wait3A_58 : memref<40x128xi32, #tpu.memory_space<hbm>>) dst(%arg7 : memref<40x128xi32, #tpu.memory_space<vmem>>)
      tpu.yield
    }) : () -> ()
    %dma_start3A = arith.constant 0 : i32
    %dma_start3A_9 = arith.constant 0 : i32
    %dma_start3A_10 = arith.constant 0 : i32
    %dma_start3A_11 = arith.constant 0 : i32
    %dma_start3A_12 = tpu.memref_slice %arg9[%dma_start3A_9, %dma_start3A_10, %dma_start3A_11] : memref<2x128x128xf32, #tpu.memory_space<vmem>> -> memref<1x128x128xf32, #tpu.memory_space<vmem>>
    %dma_start3A_13 = tpu.memref_squeeze %dma_start3A_12 : memref<1x128x128xf32, #tpu.memory_space<vmem>> -> memref<128x128xf32, #tpu.memory_space<vmem>>
    %dma_start3A_14 = arith.constant 0 : i32
    %dma_start3A_15 = tpu.memref_slice %arg7[%dma_start3A, %dma_start3A_14] : memref<40x128xi32, #tpu.memory_space<vmem>> -> memref<1x128xi32, #tpu.memory_space<vmem>>
    %dma_start3A_16 = tpu.memref_squeeze %dma_start3A_15 : memref<1x128xi32, #tpu.memory_space<vmem>> -> memref<128xi32, #tpu.memory_space<vmem>>
    %dma_start3A_17 = arith.constant 0 : i32
    %dma_start3A_18 = arith.constant 0 : i32
    %dma_start3A_19 = tpu.memref_slice %arg2[%dma_start3A_17, %dma_start3A_18] : memref<10000x128xf32, #tpu.memory_space<hbm>> -> memref<10000x128xf32, #tpu.memory_space<hbm>>
    tpu.enqueue_indirect_dma source(%dma_start3A_19 : memref<10000x128xf32, #tpu.memory_space<hbm>>) target(%dma_start3A_13 : memref<128x128xf32, #tpu.memory_space<vmem>>) offsets(%dma_start3A_16 : memref<128xi32, #tpu.memory_space<vmem>>) semaphore(%arg11 : memref<!tpu.dma_semaphore, #tpu.memory_space<semaphore_mem>>)
    %scan3A = arith.constant 0 : i32
    %scan3A_20 = arith.constant 0 : i32
    %scan3A_21 = arith.constant 20 : i32
    %scan3A_22 = arith.addi %scan3A_20, %scan3A_21 : i32
    %scan3A_23 = arith.constant 1 : i32
    scf.for %scan3A_52 = %scan3A_20 to %scan3A_22 step %scan3A_23  : i32 {
      %mul3A_53 = arith.constant 2 : i32
      %mul3A_54 = arith.muli %mul3A_53, %scan3A_52 : i32
      %add3A_55 = arith.constant 0 : i32
      %add3A_56 = arith.addi %mul3A_54, %add3A_55 : i32
      %add3A_57 = arith.constant 1 : i32
      %add3A_58 = arith.addi %add3A_56, %add3A_57 : i32
      %lt3A = arith.constant 40 : i32
      %lt3A_59 = arith.cmpi slt, %add3A_58, %lt3A : i32
      %convert_element_type3A = arith.extui %lt3A_59 : i1 to i32
      %cond3A = arith.constant 0 : i32
      %cond3A_60 = arith.cmpi ne, %convert_element_type3A, %cond3A : i32
      scf.if %cond3A_60 {
        %add3A_98 = arith.constant 1 : i32
        %add3A_99 = arith.addi %add3A_56, %add3A_98 : i32
        %dma_start3A_100 = arith.constant 1 : i32
        %dma_start3A_101 = arith.constant 0 : i32
        %dma_start3A_102 = arith.constant 0 : i32
        %dma_start3A_103 = tpu.memref_slice %arg9[%dma_start3A_100, %dma_start3A_101, %dma_start3A_102] : memref<2x128x128xf32, #tpu.memory_space<vmem>> -> memref<1x128x128xf32, #tpu.memory_space<vmem>>
        %dma_start3A_104 = tpu.memref_squeeze %dma_start3A_103 : memref<1x128x128xf32, #tpu.memory_space<vmem>> -> memref<128x128xf32, #tpu.memory_space<vmem>>
        %dma_start3A_105 = arith.constant 0 : i32
        %dma_start3A_106 = tpu.memref_slice %arg7[%add3A_99, %dma_start3A_105] : memref<40x128xi32, #tpu.memory_space<vmem>> -> memref<1x128xi32, #tpu.memory_space<vmem>>
        %dma_start3A_107 = tpu.memref_squeeze %dma_start3A_106 : memref<1x128xi32, #tpu.memory_space<vmem>> -> memref<128xi32, #tpu.memory_space<vmem>>
        %dma_start3A_108 = arith.constant 0 : i32
        %dma_start3A_109 = arith.constant 0 : i32
        %dma_start3A_110 = tpu.memref_slice %arg2[%dma_start3A_108, %dma_start3A_109] : memref<10000x128xf32, #tpu.memory_space<hbm>> -> memref<10000x128xf32, #tpu.memory_space<hbm>>
        tpu.enqueue_indirect_dma source(%dma_start3A_110 : memref<10000x128xf32, #tpu.memory_space<hbm>>) target(%dma_start3A_104 : memref<128x128xf32, #tpu.memory_space<vmem>>) offsets(%dma_start3A_107 : memref<128xi32, #tpu.memory_space<vmem>>) semaphore(%arg12 : memref<!tpu.dma_semaphore, #tpu.memory_space<semaphore_mem>>)
      } else {
      }
      %dma_wait3A = arith.constant 0 : i32
      %dma_wait3A_61 = arith.constant 0 : i32
      %dma_wait3A_62 = arith.constant 0 : i32
      %dma_wait3A_63 = tpu.memref_slice %arg9[%dma_wait3A, %dma_wait3A_61, %dma_wait3A_62] : memref<2x128x128xf32, #tpu.memory_space<vmem>> -> memref<1x128x128xf32, #tpu.memory_space<vmem>>
      %dma_wait3A_64 = tpu.memref_squeeze %dma_wait3A_63 : memref<1x128x128xf32, #tpu.memory_space<vmem>> -> memref<128x128xf32, #tpu.memory_space<vmem>>
      %dma_wait3A_65 = arith.constant 0 : i32
      %dma_wait3A_66 = tpu.memref_slice %arg7[%add3A_56, %dma_wait3A_65] : memref<40x128xi32, #tpu.memory_space<vmem>> -> memref<1x128xi32, #tpu.memory_space<vmem>>
      %dma_wait3A_67 = tpu.memref_squeeze %dma_wait3A_66 : memref<1x128xi32, #tpu.memory_space<vmem>> -> memref<128xi32, #tpu.memory_space<vmem>>
      %dma_wait3A_68 = arith.constant 0 : i32
      %dma_wait3A_69 = arith.constant 0 : i32
      %dma_wait3A_70 = tpu.memref_slice %arg2[%dma_wait3A_68, %dma_wait3A_69] : memref<10000x128xf32, #tpu.memory_space<hbm>> -> memref<10000x128xf32, #tpu.memory_space<hbm>>
      tpu.wait_indirect_dma semaphore(%arg11 : memref<!tpu.dma_semaphore, #tpu.memory_space<semaphore_mem>>) src(%dma_wait3A_70 : memref<10000x128xf32, #tpu.memory_space<hbm>>) dst(%dma_wait3A_64 : memref<128x128xf32, #tpu.memory_space<vmem>>)
      %add3A_71 = arith.constant 0 : i32
      %add3A_72 = arith.addi %add3A_71, %add3A_56 : i32
      %run_scoped3A = arith.constant 0 : i32
      "tpu.region"() ({
        %run_scoped3A_98 = tpu.sem_alloc : memref<!tpu.dma_semaphore, #tpu.memory_space<semaphore_mem>>
        %dma_start3A_99 = arith.constant 0 : i32
        %dma_start3A_100 = arith.constant 0 : i32
        %dma_start3A_101 = tpu.memref_slice %arg9[%run_scoped3A, %dma_start3A_99, %dma_start3A_100] : memref<2x128x128xf32, #tpu.memory_space<vmem>> -> memref<1x128x128xf32, #tpu.memory_space<vmem>>
        %dma_start3A_102 = tpu.memref_squeeze %dma_start3A_101 : memref<1x128x128xf32, #tpu.memory_space<vmem>> -> memref<128x128xf32, #tpu.memory_space<vmem>>
        %dma_start3A_103 = arith.constant 0 : i32
        %dma_start3A_104 = tpu.memref_slice %arg8[%add3A_72, %dma_start3A_103] : memref<80x128xi32, #tpu.memory_space<vmem>> -> memref<1x128xi32, #tpu.memory_space<vmem>>
        %dma_start3A_105 = tpu.memref_squeeze %dma_start3A_104 : memref<1x128xi32, #tpu.memory_space<vmem>> -> memref<128xi32, #tpu.memory_space<vmem>>
        %dma_start3A_106 = arith.constant 0 : i32
        %dma_start3A_107 = arith.constant 0 : i32
        %dma_start3A_108 = tpu.memref_slice %arg10[%dma_start3A_106, %dma_start3A_107] : memref<10112x128xf32, #tpu.memory_space<vmem_shared>> -> memref<10112x128xf32, #tpu.memory_space<vmem_shared>>
        tpu.enqueue_indirect_dma source(%dma_start3A_102 : memref<128x128xf32, #tpu.memory_space<vmem>>) target(%dma_start3A_108 : memref<10112x128xf32, #tpu.memory_space<vmem_shared>>) offsets(%dma_start3A_105 : memref<128xi32, #tpu.memory_space<vmem>>) semaphore(%run_scoped3A_98 : memref<!tpu.dma_semaphore, #tpu.memory_space<semaphore_mem>>) {add = true}
        %dma_wait3A_109 = arith.constant 0 : i32
        %dma_wait3A_110 = arith.constant 0 : i32
        %dma_wait3A_111 = tpu.memref_slice %arg9[%run_scoped3A, %dma_wait3A_109, %dma_wait3A_110] : memref<2x128x128xf32, #tpu.memory_space<vmem>> -> memref<1x128x128xf32, #tpu.memory_space<vmem>>
        %dma_wait3A_112 = tpu.memref_squeeze %dma_wait3A_111 : memref<1x128x128xf32, #tpu.memory_space<vmem>> -> memref<128x128xf32, #tpu.memory_space<vmem>>
        %dma_wait3A_113 = arith.constant 0 : i32
        %dma_wait3A_114 = tpu.memref_slice %arg8[%add3A_72, %dma_wait3A_113] : memref<80x128xi32, #tpu.memory_space<vmem>> -> memref<1x128xi32, #tpu.memory_space<vmem>>
        %dma_wait3A_115 = tpu.memref_squeeze %dma_wait3A_114 : memref<1x128xi32, #tpu.memory_space<vmem>> -> memref<128xi32, #tpu.memory_space<vmem>>
        %dma_wait3A_116 = arith.constant 0 : i32
        %dma_wait3A_117 = arith.constant 0 : i32
        %dma_wait3A_118 = tpu.memref_slice %arg10[%dma_wait3A_116, %dma_wait3A_117] : memref<10112x128xf32, #tpu.memory_space<vmem_shared>> -> memref<10112x128xf32, #tpu.memory_space<vmem_shared>>
        tpu.wait_indirect_dma semaphore(%run_scoped3A_98 : memref<!tpu.dma_semaphore, #tpu.memory_space<semaphore_mem>>) src(%dma_wait3A_112 : memref<128x128xf32, #tpu.memory_space<vmem>>) dst(%dma_wait3A_118 : memref<10112x128xf32, #tpu.memory_space<vmem_shared>>)
        tpu.yield
      }) : () -> ()
      %mul3A_73 = arith.constant 2 : i32
      %mul3A_74 = arith.muli %mul3A_73, %scan3A_52 : i32
      %add3A_75 = arith.constant 1 : i32
      %add3A_76 = arith.addi %mul3A_74, %add3A_75 : i32
      %add3A_77 = arith.constant 1 : i32
      %add3A_78 = arith.addi %add3A_76, %add3A_77 : i32
      %lt3A_79 = arith.constant 40 : i32
      %lt3A_80 = arith.cmpi slt, %add3A_78, %lt3A_79 : i32
      %convert_element_type3A_81 = arith.extui %lt3A_80 : i1 to i32
      %cond3A_82 = arith.constant 0 : i32
      %cond3A_83 = arith.cmpi ne, %convert_element_type3A_81, %cond3A_82 : i32
      scf.if %cond3A_83 {
        %add3A_98 = arith.constant 1 : i32
        %add3A_99 = arith.addi %add3A_76, %add3A_98 : i32
        %dma_start3A_100 = arith.constant 0 : i32
        %dma_start3A_101 = arith.constant 0 : i32
        %dma_start3A_102 = arith.constant 0 : i32
        %dma_start3A_103 = tpu.memref_slice %arg9[%dma_start3A_100, %dma_start3A_101, %dma_start3A_102] : memref<2x128x128xf32, #tpu.memory_space<vmem>> -> memref<1x128x128xf32, #tpu.memory_space<vmem>>
        %dma_start3A_104 = tpu.memref_squeeze %dma_start3A_103 : memref<1x128x128xf32, #tpu.memory_space<vmem>> -> memref<128x128xf32, #tpu.memory_space<vmem>>
        %dma_start3A_105 = arith.constant 0 : i32
        %dma_start3A_106 = tpu.memref_slice %arg7[%add3A_99, %dma_start3A_105] : memref<40x128xi32, #tpu.memory_space<vmem>> -> memref<1x128xi32, #tpu.memory_space<vmem>>
        %dma_start3A_107 = tpu.memref_squeeze %dma_start3A_106 : memref<1x128xi32, #tpu.memory_space<vmem>> -> memref<128xi32, #tpu.memory_space<vmem>>
        %dma_start3A_108 = arith.constant 0 : i32
        %dma_start3A_109 = arith.constant 0 : i32
        %dma_start3A_110 = tpu.memref_slice %arg2[%dma_start3A_108, %dma_start3A_109] : memref<10000x128xf32, #tpu.memory_space<hbm>> -> memref<10000x128xf32, #tpu.memory_space<hbm>>
        tpu.enqueue_indirect_dma source(%dma_start3A_110 : memref<10000x128xf32, #tpu.memory_space<hbm>>) target(%dma_start3A_104 : memref<128x128xf32, #tpu.memory_space<vmem>>) offsets(%dma_start3A_107 : memref<128xi32, #tpu.memory_space<vmem>>) semaphore(%arg11 : memref<!tpu.dma_semaphore, #tpu.memory_space<semaphore_mem>>)
      } else {
      }
      %dma_wait3A_84 = arith.constant 1 : i32
      %dma_wait3A_85 = arith.constant 0 : i32
      %dma_wait3A_86 = arith.constant 0 : i32
      %dma_wait3A_87 = tpu.memref_slice %arg9[%dma_wait3A_84, %dma_wait3A_85, %dma_wait3A_86] : memref<2x128x128xf32, #tpu.memory_space<vmem>> -> memref<1x128x128xf32, #tpu.memory_space<vmem>>
      %dma_wait3A_88 = tpu.memref_squeeze %dma_wait3A_87 : memref<1x128x128xf32, #tpu.memory_space<vmem>> -> memref<128x128xf32, #tpu.memory_space<vmem>>
      %dma_wait3A_89 = arith.constant 0 : i32
      %dma_wait3A_90 = tpu.memref_slice %arg7[%add3A_76, %dma_wait3A_89] : memref<40x128xi32, #tpu.memory_space<vmem>> -> memref<1x128xi32, #tpu.memory_space<vmem>>
      %dma_wait3A_91 = tpu.memref_squeeze %dma_wait3A_90 : memref<1x128xi32, #tpu.memory_space<vmem>> -> memref<128xi32, #tpu.memory_space<vmem>>
      %dma_wait3A_92 = arith.constant 0 : i32
      %dma_wait3A_93 = arith.constant 0 : i32
      %dma_wait3A_94 = tpu.memref_slice %arg2[%dma_wait3A_92, %dma_wait3A_93] : memref<10000x128xf32, #tpu.memory_space<hbm>> -> memref<10000x128xf32, #tpu.memory_space<hbm>>
      tpu.wait_indirect_dma semaphore(%arg12 : memref<!tpu.dma_semaphore, #tpu.memory_space<semaphore_mem>>) src(%dma_wait3A_94 : memref<10000x128xf32, #tpu.memory_space<hbm>>) dst(%dma_wait3A_88 : memref<128x128xf32, #tpu.memory_space<vmem>>)
      %add3A_95 = arith.constant 0 : i32
      %add3A_96 = arith.addi %add3A_95, %add3A_76 : i32
      %run_scoped3A_97 = arith.constant 1 : i32
      "tpu.region"() ({
        %run_scoped3A_98 = tpu.sem_alloc : memref<!tpu.dma_semaphore, #tpu.memory_space<semaphore_mem>>
        %dma_start3A_99 = arith.constant 0 : i32
        %dma_start3A_100 = arith.constant 0 : i32
        %dma_start3A_101 = tpu.memref_slice %arg9[%run_scoped3A_97, %dma_start3A_99, %dma_start3A_100] : memref<2x128x128xf32, #tpu.memory_space<vmem>> -> memref<1x128x128xf32, #tpu.memory_space<vmem>>
        %dma_start3A_102 = tpu.memref_squeeze %dma_start3A_101 : memref<1x128x128xf32, #tpu.memory_space<vmem>> -> memref<128x128xf32, #tpu.memory_space<vmem>>
        %dma_start3A_103 = arith.constant 0 : i32
        %dma_start3A_104 = tpu.memref_slice %arg8[%add3A_96, %dma_start3A_103] : memref<80x128xi32, #tpu.memory_space<vmem>> -> memref<1x128xi32, #tpu.memory_space<vmem>>
        %dma_start3A_105 = tpu.memref_squeeze %dma_start3A_104 : memref<1x128xi32, #tpu.memory_space<vmem>> -> memref<128xi32, #tpu.memory_space<vmem>>
        %dma_start3A_106 = arith.constant 0 : i32
        %dma_start3A_107 = arith.constant 0 : i32
        %dma_start3A_108 = tpu.memref_slice %arg10[%dma_start3A_106, %dma_start3A_107] : memref<10112x128xf32, #tpu.memory_space<vmem_shared>> -> memref<10112x128xf32, #tpu.memory_space<vmem_shared>>
        tpu.enqueue_indirect_dma source(%dma_start3A_102 : memref<128x128xf32, #tpu.memory_space<vmem>>) target(%dma_start3A_108 : memref<10112x128xf32, #tpu.memory_space<vmem_shared>>) offsets(%dma_start3A_105 : memref<128xi32, #tpu.memory_space<vmem>>) semaphore(%run_scoped3A_98 : memref<!tpu.dma_semaphore, #tpu.memory_space<semaphore_mem>>) {add = true}
        %dma_wait3A_109 = arith.constant 0 : i32
        %dma_wait3A_110 = arith.constant 0 : i32
        %dma_wait3A_111 = tpu.memref_slice %arg9[%run_scoped3A_97, %dma_wait3A_109, %dma_wait3A_110] : memref<2x128x128xf32, #tpu.memory_space<vmem>> -> memref<1x128x128xf32, #tpu.memory_space<vmem>>
        %dma_wait3A_112 = tpu.memref_squeeze %dma_wait3A_111 : memref<1x128x128xf32, #tpu.memory_space<vmem>> -> memref<128x128xf32, #tpu.memory_space<vmem>>
        %dma_wait3A_113 = arith.constant 0 : i32
        %dma_wait3A_114 = tpu.memref_slice %arg8[%add3A_96, %dma_wait3A_113] : memref<80x128xi32, #tpu.memory_space<vmem>> -> memref<1x128xi32, #tpu.memory_space<vmem>>
        %dma_wait3A_115 = tpu.memref_squeeze %dma_wait3A_114 : memref<1x128xi32, #tpu.memory_space<vmem>> -> memref<128xi32, #tpu.memory_space<vmem>>
        %dma_wait3A_116 = arith.constant 0 : i32
        %dma_wait3A_117 = arith.constant 0 : i32
        %dma_wait3A_118 = tpu.memref_slice %arg10[%dma_wait3A_116, %dma_wait3A_117] : memref<10112x128xf32, #tpu.memory_space<vmem_shared>> -> memref<10112x128xf32, #tpu.memory_space<vmem_shared>>
        tpu.wait_indirect_dma semaphore(%run_scoped3A_98 : memref<!tpu.dma_semaphore, #tpu.memory_space<semaphore_mem>>) src(%dma_wait3A_112 : memref<128x128xf32, #tpu.memory_space<vmem>>) dst(%dma_wait3A_118 : memref<10112x128xf32, #tpu.memory_space<vmem_shared>>)
        tpu.yield
      }) : () -> ()
    }
    %scan3A_24 = arith.constant 20 : i32
    %mul3A_25 = arith.constant 80 : i32
    %mul3A_26 = arith.muli %add3A, %mul3A_25 : i32
    %add3A_27 = arith.constant 40 : i32
    %add3A_28 = arith.addi %mul3A_26, %add3A_27 : i32
    "tpu.region"() ({
      %run_scoped3A = tpu.sem_alloc : memref<!tpu.dma_semaphore, #tpu.memory_space<semaphore_mem>>
      %dma_start3A_52 = arith.constant 0 : i32
      %dma_start3A_53 = tpu.memref_slice %arg3[%add3A_28, %dma_start3A_52] : memref<2560x128xi32, #tpu.memory_space<hbm>> -> memref<40x128xi32, #tpu.memory_space<hbm>>
      %dma_start3A_54 = arith.constant 0 : i32
      %dma_start3A_55 = tpu.memref_slice %arg3[%add3A_28, %dma_start3A_54] : memref<2560x128xi32, #tpu.memory_space<hbm>> -> memref<40x128xi32, #tpu.memory_space<hbm>>
      tpu.enqueue_dma source(%dma_start3A_55 : memref<40x128xi32, #tpu.memory_space<hbm>>) target(%arg7 : memref<40x128xi32, #tpu.memory_space<vmem>>) target_semaphore(%run_scoped3A : memref<!tpu.dma_semaphore, #tpu.memory_space<semaphore_mem>>)
      %dma_wait3A = arith.constant 0 : i32
      %dma_wait3A_56 = tpu.memref_slice %arg3[%add3A_28, %dma_wait3A] : memref<2560x128xi32, #tpu.memory_space<hbm>> -> memref<40x128xi32, #tpu.memory_space<hbm>>
      %dma_wait3A_57 = arith.constant 0 : i32
      %dma_wait3A_58 = tpu.memref_slice %arg3[%add3A_28, %dma_wait3A_57] : memref<2560x128xi32, #tpu.memory_space<hbm>> -> memref<40x128xi32, #tpu.memory_space<hbm>>
      tpu.wait_dma2 semaphore(%run_scoped3A : memref<!tpu.dma_semaphore, #tpu.memory_space<semaphore_mem>>) src(%dma_wait3A_58 : memref<40x128xi32, #tpu.memory_space<hbm>>) dst(%arg7 : memref<40x128xi32, #tpu.memory_space<vmem>>)
      tpu.yield
    }) : () -> ()
    %dma_start3A_29 = arith.constant 0 : i32
    %dma_start3A_30 = arith.constant 0 : i32
    %dma_start3A_31 = arith.constant 0 : i32
    %dma_start3A_32 = arith.constant 0 : i32
    %dma_start3A_33 = tpu.memref_slice %arg9[%dma_start3A_30, %dma_start3A_31, %dma_start3A_32] : memref<2x128x128xf32, #tpu.memory_space<vmem>> -> memref<1x128x128xf32, #tpu.memory_space<vmem>>
    %dma_start3A_34 = tpu.memref_squeeze %dma_start3A_33 : memref<1x128x128xf32, #tpu.memory_space<vmem>> -> memref<128x128xf32, #tpu.memory_space<vmem>>
    %dma_start3A_35 = arith.constant 0 : i32
    %dma_start3A_36 = tpu.memref_slice %arg7[%dma_start3A_29, %dma_start3A_35] : memref<40x128xi32, #tpu.memory_space<vmem>> -> memref<1x128xi32, #tpu.memory_space<vmem>>
    %dma_start3A_37 = tpu.memref_squeeze %dma_start3A_36 : memref<1x128xi32, #tpu.memory_space<vmem>> -> memref<128xi32, #tpu.memory_space<vmem>>
    %dma_start3A_38 = arith.constant 0 : i32
    %dma_start3A_39 = arith.constant 0 : i32
    %dma_start3A_40 = tpu.memref_slice %arg2[%dma_start3A_38, %dma_start3A_39] : memref<10000x128xf32, #tpu.memory_space<hbm>> -> memref<10000x128xf32, #tpu.memory_space<hbm>>
    tpu.enqueue_indirect_dma source(%dma_start3A_40 : memref<10000x128xf32, #tpu.memory_space<hbm>>) target(%dma_start3A_34 : memref<128x128xf32, #tpu.memory_space<vmem>>) offsets(%dma_start3A_37 : memref<128xi32, #tpu.memory_space<vmem>>) semaphore(%arg11 : memref<!tpu.dma_semaphore, #tpu.memory_space<semaphore_mem>>)
    %scan3A_41 = arith.constant 0 : i32
    %scan3A_42 = arith.constant 0 : i32
    %scan3A_43 = arith.constant 20 : i32
    %scan3A_44 = arith.addi %scan3A_42, %scan3A_43 : i32
    %scan3A_45 = arith.constant 1 : i32
    scf.for %scan3A_52 = %scan3A_42 to %scan3A_44 step %scan3A_45  : i32 {
      %mul3A_53 = arith.constant 2 : i32
      %mul3A_54 = arith.muli %mul3A_53, %scan3A_52 : i32
      %add3A_55 = arith.constant 0 : i32
      %add3A_56 = arith.addi %mul3A_54, %add3A_55 : i32
      %add3A_57 = arith.constant 1 : i32
      %add3A_58 = arith.addi %add3A_56, %add3A_57 : i32
      %lt3A = arith.constant 40 : i32
      %lt3A_59 = arith.cmpi slt, %add3A_58, %lt3A : i32
      %convert_element_type3A = arith.extui %lt3A_59 : i1 to i32
      %cond3A = arith.constant 0 : i32
      %cond3A_60 = arith.cmpi ne, %convert_element_type3A, %cond3A : i32
      scf.if %cond3A_60 {
        %add3A_98 = arith.constant 1 : i32
        %add3A_99 = arith.addi %add3A_56, %add3A_98 : i32
        %dma_start3A_100 = arith.constant 1 : i32
        %dma_start3A_101 = arith.constant 0 : i32
        %dma_start3A_102 = arith.constant 0 : i32
        %dma_start3A_103 = tpu.memref_slice %arg9[%dma_start3A_100, %dma_start3A_101, %dma_start3A_102] : memref<2x128x128xf32, #tpu.memory_space<vmem>> -> memref<1x128x128xf32, #tpu.memory_space<vmem>>
        %dma_start3A_104 = tpu.memref_squeeze %dma_start3A_103 : memref<1x128x128xf32, #tpu.memory_space<vmem>> -> memref<128x128xf32, #tpu.memory_space<vmem>>
        %dma_start3A_105 = arith.constant 0 : i32
        %dma_start3A_106 = tpu.memref_slice %arg7[%add3A_99, %dma_start3A_105] : memref<40x128xi32, #tpu.memory_space<vmem>> -> memref<1x128xi32, #tpu.memory_space<vmem>>
        %dma_start3A_107 = tpu.memref_squeeze %dma_start3A_106 : memref<1x128xi32, #tpu.memory_space<vmem>> -> memref<128xi32, #tpu.memory_space<vmem>>
        %dma_start3A_108 = arith.constant 0 : i32
        %dma_start3A_109 = arith.constant 0 : i32
        %dma_start3A_110 = tpu.memref_slice %arg2[%dma_start3A_108, %dma_start3A_109] : memref<10000x128xf32, #tpu.memory_space<hbm>> -> memref<10000x128xf32, #tpu.memory_space<hbm>>
        tpu.enqueue_indirect_dma source(%dma_start3A_110 : memref<10000x128xf32, #tpu.memory_space<hbm>>) target(%dma_start3A_104 : memref<128x128xf32, #tpu.memory_space<vmem>>) offsets(%dma_start3A_107 : memref<128xi32, #tpu.memory_space<vmem>>) semaphore(%arg12 : memref<!tpu.dma_semaphore, #tpu.memory_space<semaphore_mem>>)
      } else {
      }
      %dma_wait3A = arith.constant 0 : i32
      %dma_wait3A_61 = arith.constant 0 : i32
      %dma_wait3A_62 = arith.constant 0 : i32
      %dma_wait3A_63 = tpu.memref_slice %arg9[%dma_wait3A, %dma_wait3A_61, %dma_wait3A_62] : memref<2x128x128xf32, #tpu.memory_space<vmem>> -> memref<1x128x128xf32, #tpu.memory_space<vmem>>
      %dma_wait3A_64 = tpu.memref_squeeze %dma_wait3A_63 : memref<1x128x128xf32, #tpu.memory_space<vmem>> -> memref<128x128xf32, #tpu.memory_space<vmem>>
      %dma_wait3A_65 = arith.constant 0 : i32
      %dma_wait3A_66 = tpu.memref_slice %arg7[%add3A_56, %dma_wait3A_65] : memref<40x128xi32, #tpu.memory_space<vmem>> -> memref<1x128xi32, #tpu.memory_space<vmem>>
      %dma_wait3A_67 = tpu.memref_squeeze %dma_wait3A_66 : memref<1x128xi32, #tpu.memory_space<vmem>> -> memref<128xi32, #tpu.memory_space<vmem>>
      %dma_wait3A_68 = arith.constant 0 : i32
      %dma_wait3A_69 = arith.constant 0 : i32
      %dma_wait3A_70 = tpu.memref_slice %arg2[%dma_wait3A_68, %dma_wait3A_69] : memref<10000x128xf32, #tpu.memory_space<hbm>> -> memref<10000x128xf32, #tpu.memory_space<hbm>>
      tpu.wait_indirect_dma semaphore(%arg11 : memref<!tpu.dma_semaphore, #tpu.memory_space<semaphore_mem>>) src(%dma_wait3A_70 : memref<10000x128xf32, #tpu.memory_space<hbm>>) dst(%dma_wait3A_64 : memref<128x128xf32, #tpu.memory_space<vmem>>)
      %add3A_71 = arith.constant 40 : i32
      %add3A_72 = arith.addi %add3A_71, %add3A_56 : i32
      %run_scoped3A = arith.constant 0 : i32
      "tpu.region"() ({
        %run_scoped3A_98 = tpu.sem_alloc : memref<!tpu.dma_semaphore, #tpu.memory_space<semaphore_mem>>
        %dma_start3A_99 = arith.constant 0 : i32
        %dma_start3A_100 = arith.constant 0 : i32
        %dma_start3A_101 = tpu.memref_slice %arg9[%run_scoped3A, %dma_start3A_99, %dma_start3A_100] : memref<2x128x128xf32, #tpu.memory_space<vmem>> -> memref<1x128x128xf32, #tpu.memory_space<vmem>>
        %dma_start3A_102 = tpu.memref_squeeze %dma_start3A_101 : memref<1x128x128xf32, #tpu.memory_space<vmem>> -> memref<128x128xf32, #tpu.memory_space<vmem>>
        %dma_start3A_103 = arith.constant 0 : i32
        %dma_start3A_104 = tpu.memref_slice %arg8[%add3A_72, %dma_start3A_103] : memref<80x128xi32, #tpu.memory_space<vmem>> -> memref<1x128xi32, #tpu.memory_space<vmem>>
        %dma_start3A_105 = tpu.memref_squeeze %dma_start3A_104 : memref<1x128xi32, #tpu.memory_space<vmem>> -> memref<128xi32, #tpu.memory_space<vmem>>
        %dma_start3A_106 = arith.constant 0 : i32
        %dma_start3A_107 = arith.constant 0 : i32
        %dma_start3A_108 = tpu.memref_slice %arg10[%dma_start3A_106, %dma_start3A_107] : memref<10112x128xf32, #tpu.memory_space<vmem_shared>> -> memref<10112x128xf32, #tpu.memory_space<vmem_shared>>
        tpu.enqueue_indirect_dma source(%dma_start3A_102 : memref<128x128xf32, #tpu.memory_space<vmem>>) target(%dma_start3A_108 : memref<10112x128xf32, #tpu.memory_space<vmem_shared>>) offsets(%dma_start3A_105 : memref<128xi32, #tpu.memory_space<vmem>>) semaphore(%run_scoped3A_98 : memref<!tpu.dma_semaphore, #tpu.memory_space<semaphore_mem>>) {add = true}
        %dma_wait3A_109 = arith.constant 0 : i32
        %dma_wait3A_110 = arith.constant 0 : i32
        %dma_wait3A_111 = tpu.memref_slice %arg9[%run_scoped3A, %dma_wait3A_109, %dma_wait3A_110] : memref<2x128x128xf32, #tpu.memory_space<vmem>> -> memref<1x128x128xf32, #tpu.memory_space<vmem>>
        %dma_wait3A_112 = tpu.memref_squeeze %dma_wait3A_111 : memref<1x128x128xf32, #tpu.memory_space<vmem>> -> memref<128x128xf32, #tpu.memory_space<vmem>>
        %dma_wait3A_113 = arith.constant 0 : i32
        %dma_wait3A_114 = tpu.memref_slice %arg8[%add3A_72, %dma_wait3A_113] : memref<80x128xi32, #tpu.memory_space<vmem>> -> memref<1x128xi32, #tpu.memory_space<vmem>>
        %dma_wait3A_115 = tpu.memref_squeeze %dma_wait3A_114 : memref<1x128xi32, #tpu.memory_space<vmem>> -> memref<128xi32, #tpu.memory_space<vmem>>
        %dma_wait3A_116 = arith.constant 0 : i32
        %dma_wait3A_117 = arith.constant 0 : i32
        %dma_wait3A_118 = tpu.memref_slice %arg10[%dma_wait3A_116, %dma_wait3A_117] : memref<10112x128xf32, #tpu.memory_space<vmem_shared>> -> memref<10112x128xf32, #tpu.memory_space<vmem_shared>>
        tpu.wait_indirect_dma semaphore(%run_scoped3A_98 : memref<!tpu.dma_semaphore, #tpu.memory_space<semaphore_mem>>) src(%dma_wait3A_112 : memref<128x128xf32, #tpu.memory_space<vmem>>) dst(%dma_wait3A_118 : memref<10112x128xf32, #tpu.memory_space<vmem_shared>>)
        tpu.yield
      }) : () -> ()
      %mul3A_73 = arith.constant 2 : i32
      %mul3A_74 = arith.muli %mul3A_73, %scan3A_52 : i32
      %add3A_75 = arith.constant 1 : i32
      %add3A_76 = arith.addi %mul3A_74, %add3A_75 : i32
      %add3A_77 = arith.constant 1 : i32
      %add3A_78 = arith.addi %add3A_76, %add3A_77 : i32
      %lt3A_79 = arith.constant 40 : i32
      %lt3A_80 = arith.cmpi slt, %add3A_78, %lt3A_79 : i32
      %convert_element_type3A_81 = arith.extui %lt3A_80 : i1 to i32
      %cond3A_82 = arith.constant 0 : i32
      %cond3A_83 = arith.cmpi ne, %convert_element_type3A_81, %cond3A_82 : i32
      scf.if %cond3A_83 {
        %add3A_98 = arith.constant 1 : i32
        %add3A_99 = arith.addi %add3A_76, %add3A_98 : i32
        %dma_start3A_100 = arith.constant 0 : i32
        %dma_start3A_101 = arith.constant 0 : i32
        %dma_start3A_102 = arith.constant 0 : i32
        %dma_start3A_103 = tpu.memref_slice %arg9[%dma_start3A_100, %dma_start3A_101, %dma_start3A_102] : memref<2x128x128xf32, #tpu.memory_space<vmem>> -> memref<1x128x128xf32, #tpu.memory_space<vmem>>
        %dma_start3A_104 = tpu.memref_squeeze %dma_start3A_103 : memref<1x128x128xf32, #tpu.memory_space<vmem>> -> memref<128x128xf32, #tpu.memory_space<vmem>>
        %dma_start3A_105 = arith.constant 0 : i32
        %dma_start3A_106 = tpu.memref_slice %arg7[%add3A_99, %dma_start3A_105] : memref<40x128xi32, #tpu.memory_space<vmem>> -> memref<1x128xi32, #tpu.memory_space<vmem>>
        %dma_start3A_107 = tpu.memref_squeeze %dma_start3A_106 : memref<1x128xi32, #tpu.memory_space<vmem>> -> memref<128xi32, #tpu.memory_space<vmem>>
        %dma_start3A_108 = arith.constant 0 : i32
        %dma_start3A_109 = arith.constant 0 : i32
        %dma_start3A_110 = tpu.memref_slice %arg2[%dma_start3A_108, %dma_start3A_109] : memref<10000x128xf32, #tpu.memory_space<hbm>> -> memref<10000x128xf32, #tpu.memory_space<hbm>>
        tpu.enqueue_indirect_dma source(%dma_start3A_110 : memref<10000x128xf32, #tpu.memory_space<hbm>>) target(%dma_start3A_104 : memref<128x128xf32, #tpu.memory_space<vmem>>) offsets(%dma_start3A_107 : memref<128xi32, #tpu.memory_space<vmem>>) semaphore(%arg11 : memref<!tpu.dma_semaphore, #tpu.memory_space<semaphore_mem>>)
      } else {
      }
      %dma_wait3A_84 = arith.constant 1 : i32
      %dma_wait3A_85 = arith.constant 0 : i32
      %dma_wait3A_86 = arith.constant 0 : i32
      %dma_wait3A_87 = tpu.memref_slice %arg9[%dma_wait3A_84, %dma_wait3A_85, %dma_wait3A_86] : memref<2x128x128xf32, #tpu.memory_space<vmem>> -> memref<1x128x128xf32, #tpu.memory_space<vmem>>
      %dma_wait3A_88 = tpu.memref_squeeze %dma_wait3A_87 : memref<1x128x128xf32, #tpu.memory_space<vmem>> -> memref<128x128xf32, #tpu.memory_space<vmem>>
      %dma_wait3A_89 = arith.constant 0 : i32
      %dma_wait3A_90 = tpu.memref_slice %arg7[%add3A_76, %dma_wait3A_89] : memref<40x128xi32, #tpu.memory_space<vmem>> -> memref<1x128xi32, #tpu.memory_space<vmem>>
      %dma_wait3A_91 = tpu.memref_squeeze %dma_wait3A_90 : memref<1x128xi32, #tpu.memory_space<vmem>> -> memref<128xi32, #tpu.memory_space<vmem>>
      %dma_wait3A_92 = arith.constant 0 : i32
      %dma_wait3A_93 = arith.constant 0 : i32
      %dma_wait3A_94 = tpu.memref_slice %arg2[%dma_wait3A_92, %dma_wait3A_93] : memref<10000x128xf32, #tpu.memory_space<hbm>> -> memref<10000x128xf32, #tpu.memory_space<hbm>>
      tpu.wait_indirect_dma semaphore(%arg12 : memref<!tpu.dma_semaphore, #tpu.memory_space<semaphore_mem>>) src(%dma_wait3A_94 : memref<10000x128xf32, #tpu.memory_space<hbm>>) dst(%dma_wait3A_88 : memref<128x128xf32, #tpu.memory_space<vmem>>)
      %add3A_95 = arith.constant 40 : i32
      %add3A_96 = arith.addi %add3A_95, %add3A_76 : i32
      %run_scoped3A_97 = arith.constant 1 : i32
      "tpu.region"() ({
        %run_scoped3A_98 = tpu.sem_alloc : memref<!tpu.dma_semaphore, #tpu.memory_space<semaphore_mem>>
        %dma_start3A_99 = arith.constant 0 : i32
        %dma_start3A_100 = arith.constant 0 : i32
        %dma_start3A_101 = tpu.memref_slice %arg9[%run_scoped3A_97, %dma_start3A_99, %dma_start3A_100] : memref<2x128x128xf32, #tpu.memory_space<vmem>> -> memref<1x128x128xf32, #tpu.memory_space<vmem>>
        %dma_start3A_102 = tpu.memref_squeeze %dma_start3A_101 : memref<1x128x128xf32, #tpu.memory_space<vmem>> -> memref<128x128xf32, #tpu.memory_space<vmem>>
        %dma_start3A_103 = arith.constant 0 : i32
        %dma_start3A_104 = tpu.memref_slice %arg8[%add3A_96, %dma_start3A_103] : memref<80x128xi32, #tpu.memory_space<vmem>> -> memref<1x128xi32, #tpu.memory_space<vmem>>
        %dma_start3A_105 = tpu.memref_squeeze %dma_start3A_104 : memref<1x128xi32, #tpu.memory_space<vmem>> -> memref<128xi32, #tpu.memory_space<vmem>>
        %dma_start3A_106 = arith.constant 0 : i32
        %dma_start3A_107 = arith.constant 0 : i32
        %dma_start3A_108 = tpu.memref_slice %arg10[%dma_start3A_106, %dma_start3A_107] : memref<10112x128xf32, #tpu.memory_space<vmem_shared>> -> memref<10112x128xf32, #tpu.memory_space<vmem_shared>>
        tpu.enqueue_indirect_dma source(%dma_start3A_102 : memref<128x128xf32, #tpu.memory_space<vmem>>) target(%dma_start3A_108 : memref<10112x128xf32, #tpu.memory_space<vmem_shared>>) offsets(%dma_start3A_105 : memref<128xi32, #tpu.memory_space<vmem>>) semaphore(%run_scoped3A_98 : memref<!tpu.dma_semaphore, #tpu.memory_space<semaphore_mem>>) {add = true}
        %dma_wait3A_109 = arith.constant 0 : i32
        %dma_wait3A_110 = arith.constant 0 : i32
        %dma_wait3A_111 = tpu.memref_slice %arg9[%run_scoped3A_97, %dma_wait3A_109, %dma_wait3A_110] : memref<2x128x128xf32, #tpu.memory_space<vmem>> -> memref<1x128x128xf32, #tpu.memory_space<vmem>>
        %dma_wait3A_112 = tpu.memref_squeeze %dma_wait3A_111 : memref<1x128x128xf32, #tpu.memory_space<vmem>> -> memref<128x128xf32, #tpu.memory_space<vmem>>
        %dma_wait3A_113 = arith.constant 0 : i32
        %dma_wait3A_114 = tpu.memref_slice %arg8[%add3A_96, %dma_wait3A_113] : memref<80x128xi32, #tpu.memory_space<vmem>> -> memref<1x128xi32, #tpu.memory_space<vmem>>
        %dma_wait3A_115 = tpu.memref_squeeze %dma_wait3A_114 : memref<1x128xi32, #tpu.memory_space<vmem>> -> memref<128xi32, #tpu.memory_space<vmem>>
        %dma_wait3A_116 = arith.constant 0 : i32
        %dma_wait3A_117 = arith.constant 0 : i32
        %dma_wait3A_118 = tpu.memref_slice %arg10[%dma_wait3A_116, %dma_wait3A_117] : memref<10112x128xf32, #tpu.memory_space<vmem_shared>> -> memref<10112x128xf32, #tpu.memory_space<vmem_shared>>
        tpu.wait_indirect_dma semaphore(%run_scoped3A_98 : memref<!tpu.dma_semaphore, #tpu.memory_space<semaphore_mem>>) src(%dma_wait3A_112 : memref<128x128xf32, #tpu.memory_space<vmem>>) dst(%dma_wait3A_118 : memref<10112x128xf32, #tpu.memory_space<vmem_shared>>)
        tpu.yield
      }) : () -> ()
    }
    %scan3A_46 = arith.constant 20 : i32
    %barrier3A_47 = arith.constant 0 : index
    tpu.barrier barrier_id(%barrier3A_47)
    %mul3A_48 = arith.constant 632 : i32
    %mul3A_49 = arith.muli %arg1, %mul3A_48 : i32
    %mul3A_50 = arith.constant 632 : i32
    %mul3A_51 = arith.muli %arg1, %mul3A_50 : i32
    "tpu.region"() ({
      %run_scoped3A = tpu.sem_alloc : memref<!tpu.dma_semaphore, #tpu.memory_space<semaphore_mem>>
      %dma_start3A_52 = arith.constant 0 : i32
      %dma_start3A_53 = tpu.memref_slice %arg6[%arg0, %mul3A_51, %dma_start3A_52] : memref<2x10112x128xf32, #tpu.memory_space<hbm>> -> memref<1x632x128xf32, #tpu.memory_space<hbm>>
      %dma_start3A_54 = tpu.memref_squeeze %dma_start3A_53 : memref<1x632x128xf32, #tpu.memory_space<hbm>> -> memref<632x128xf32, #tpu.memory_space<hbm>>
      %dma_start3A_55 = arith.constant 0 : i32
      %dma_start3A_56 = tpu.memref_slice %arg10[%mul3A_49, %dma_start3A_55] : memref<10112x128xf32, #tpu.memory_space<vmem_shared>> -> memref<632x128xf32, #tpu.memory_space<vmem_shared>>
      tpu.enqueue_dma source(%dma_start3A_56 : memref<632x128xf32, #tpu.memory_space<vmem_shared>>) target(%dma_start3A_54 : memref<632x128xf32, #tpu.memory_space<hbm>>) target_semaphore(%run_scoped3A : memref<!tpu.dma_semaphore, #tpu.memory_space<semaphore_mem>>)
      %dma_wait3A = arith.constant 0 : i32
      %dma_wait3A_57 = tpu.memref_slice %arg6[%arg0, %mul3A_51, %dma_wait3A] : memref<2x10112x128xf32, #tpu.memory_space<hbm>> -> memref<1x632x128xf32, #tpu.memory_space<hbm>>
      %dma_wait3A_58 = tpu.memref_squeeze %dma_wait3A_57 : memref<1x632x128xf32, #tpu.memory_space<hbm>> -> memref<632x128xf32, #tpu.memory_space<hbm>>
      %dma_wait3A_59 = arith.constant 0 : i32
      %dma_wait3A_60 = tpu.memref_slice %arg10[%mul3A_49, %dma_wait3A_59] : memref<10112x128xf32, #tpu.memory_space<vmem_shared>> -> memref<632x128xf32, #tpu.memory_space<vmem_shared>>
      tpu.wait_dma2 semaphore(%run_scoped3A : memref<!tpu.dma_semaphore, #tpu.memory_space<semaphore_mem>>) src(%dma_wait3A_60 : memref<632x128xf32, #tpu.memory_space<vmem_shared>>) dst(%dma_wait3A_58 : memref<632x128xf32, #tpu.memory_space<hbm>>)
      tpu.yield
    }) : () -> ()
    return
  }
}

module attributes {stable_mosaic.version = 14 : i64} {
  func.func @_t2_body(%arg0: i32, %arg1: memref<2x1000x128xf32, #tpu.memory_space<vmem>>, %arg2: memref<1000x128xf32, #tpu.memory_space<vmem>>, %arg3: memref<2x1000x128xf32, #tpu.memory_space<vmem>>, %arg4: memref<128x128xf32, #tpu.memory_space<vmem>>, %arg5: memref<1x128xf32, #tpu.memory_space<vmem>>, %arg6: memref<1000x128xf32, #tpu.memory_space<vmem>>) attributes {dimension_semantics = [#tpu.dimension_semantics<arbitrary>], iteration_bounds = array<i64: 10>, scalar_prefetch = 0 : i64, scratch_operands = 0 : i64, tpu.core_type = #tpu.core_type<tc>, window_params = [{transform_indices = @transform_0, window_bounds = array<i64: 2, 1000, 128>}, {transform_indices = @transform_1, window_bounds = array<i64: 1000, 128>}, {transform_indices = @transform_2, window_bounds = array<i64: 2, 1000, 128>}, {pipeline_mode = #tpu.pipeline_mode<synchronous>, transform_indices = @transform_3, window_bounds = array<i64: 128, 128>}, {pipeline_mode = #tpu.pipeline_mode<synchronous>, transform_indices = @transform_4, window_bounds = array<i64: 1, 128>}, {transform_indices = @transform_5, window_bounds = array<i64: 1000, 128>}]} {
    %get3A = arith.constant 0 : index
    %get3A_0 = arith.constant 0 : index
    %get3A_1 = arith.constant 0 : index
    %get3A_2 = vector.load %arg3[%get3A, %get3A_0, %get3A_1] : memref<2x1000x128xf32, #tpu.memory_space<vmem>>, vector<1x1000x1xf32>
    %get3A_3 = vector.shape_cast %get3A_2 : vector<1x1000x1xf32> to vector<1000x1xf32>
    %get3A_4 = arith.constant 1 : index
    %get3A_5 = arith.constant 0 : index
    %get3A_6 = arith.constant 0 : index
    %get3A_7 = vector.load %arg3[%get3A_4, %get3A_5, %get3A_6] : memref<2x1000x128xf32, #tpu.memory_space<vmem>>, vector<1x1000x1xf32>
    %get3A_8 = vector.shape_cast %get3A_7 : vector<1x1000x1xf32> to vector<1000x1xf32>
    %add3A = arith.addf %get3A_3, %get3A_8 : vector<1000x1xf32>
    %add3A_9 = arith.constant 1.000000e+00 : f32
    %add3A_10 = vector.broadcast %add3A_9 : f32 to vector<1000x1xf32>
    %add3A_11 = arith.addf %add3A, %add3A_10 : vector<1000x1xf32>
    %rsqrt3A = math.rsqrt %add3A_11 : vector<1000x1xf32>
    %get3A_12 = arith.constant 0 : index
    %get3A_13 = arith.constant 0 : index
    %get3A_14 = arith.constant 0 : index
    %get3A_15 = vector.load %arg1[%get3A_12, %get3A_13, %get3A_14] : memref<2x1000x128xf32, #tpu.memory_space<vmem>>, vector<1x1000x128xf32>
    %get3A_16 = vector.shape_cast %get3A_15 : vector<1x1000x128xf32> to vector<1000x128xf32>
    %get3A_17 = arith.constant 1 : index
    %get3A_18 = arith.constant 0 : index
    %get3A_19 = arith.constant 0 : index
    %get3A_20 = vector.load %arg1[%get3A_17, %get3A_18, %get3A_19] : memref<2x1000x128xf32, #tpu.memory_space<vmem>>, vector<1x1000x128xf32>
    %get3A_21 = vector.shape_cast %get3A_20 : vector<1x1000x128xf32> to vector<1000x128xf32>
    %add3A_22 = arith.addf %get3A_16, %get3A_21 : vector<1000x128xf32>
    %get3A_23 = arith.constant 0 : index
    %get3A_24 = arith.constant 0 : index
    %get3A_25 = vector.load %arg2[%get3A_23, %get3A_24] : memref<1000x128xf32, #tpu.memory_space<vmem>>, vector<1000x128xf32>
    %add3A_26 = arith.addf %add3A_22, %get3A_25 : vector<1000x128xf32>
    %mul3A = vector.broadcast %rsqrt3A : vector<1000x1xf32> to vector<1000x128xf32>
    %mul3A_27 = arith.mulf %mul3A, %add3A_26 : vector<1000x128xf32>
    %get3A_28 = arith.constant 0 : index
    %get3A_29 = arith.constant 0 : index
    %get3A_30 = vector.load %arg5[%get3A_28, %get3A_29] : memref<1x128xf32, #tpu.memory_space<vmem>>, vector<1x128xf32>
    %add3A_31 = vector.broadcast %get3A_30 : vector<1x128xf32> to vector<1000x128xf32>
    %add3A_32 = arith.addf %mul3A_27, %add3A_31 : vector<1000x128xf32>
    %max3A = arith.constant 0.000000e+00 : f32
    %max3A_33 = vector.broadcast %max3A : f32 to vector<1000x128xf32>
    %max3A_34 = arith.maximumf %add3A_32, %max3A_33 : vector<1000x128xf32>
    %get3A_35 = arith.constant 0 : index
    %get3A_36 = arith.constant 0 : index
    %get3A_37 = vector.load %arg4[%get3A_35, %get3A_36] : memref<128x128xf32, #tpu.memory_space<vmem>>, vector<128x128xf32>
    %dot_general3A = arith.constant dense<0.000000e+00> : vector<1000x128xf32>
    %dot_general3A_38 = tpu.matmul %max3A_34, %get3A_37, %dot_general3A {dimension_numbers = #tpu.dot_dimension_numbers<[1], [0], [0], [1], [0, 0, 1, 1], [], []>, precision = #tpu.contract_precision<fp32>, transpose_lhs_hint = false} : vector<1000x128xf32>, vector<128x128xf32>, vector<1000x128xf32> -> vector<1000x128xf32>
    %mul3A_39 = vector.broadcast %rsqrt3A : vector<1000x1xf32> to vector<1000x128xf32>
    %mul3A_40 = arith.mulf %mul3A_39, %dot_general3A_38 : vector<1000x128xf32>
    %swap3A = arith.constant 0 : index
    %swap3A_41 = arith.constant 0 : index
    %swap3A_42 = vector.load %arg6[%swap3A, %swap3A_41] : memref<1000x128xf32, #tpu.memory_space<vmem>>, vector<1000x128xf32>
    tpu.vector_store %arg6[%swap3A, %swap3A_41], %mul3A_40 {strides = array<i32>} : memref<1000x128xf32, #tpu.memory_space<vmem>>, vector<1000x128xf32>,
    return
  }
  func.func @transform_0(%arg0: i32) -> (i32, i32, i32) {
    %c0_i32 = arith.constant 0 : i32
    %c0_i32_0 = arith.constant 0 : i32
    %c0_i32_1 = arith.constant 0 : i32
    return %c0_i32, %arg0, %c0_i32_0 : i32, i32, i32
  }
  func.func @transform_1(%arg0: i32) -> (i32, i32) {
    %c0_i32 = arith.constant 0 : i32
    %c0_i32_0 = arith.constant 0 : i32
    return %arg0, %c0_i32 : i32, i32
  }
  func.func @transform_2(%arg0: i32) -> (i32, i32, i32) {
    %c0_i32 = arith.constant 0 : i32
    %c0_i32_0 = arith.constant 0 : i32
    %c0_i32_1 = arith.constant 0 : i32
    return %c0_i32, %arg0, %c0_i32_0 : i32, i32, i32
  }
  func.func @transform_3(%arg0: i32) -> (i32, i32) {
    %c0_i32 = arith.constant 0 : i32
    %c0_i32_0 = arith.constant 0 : i32
    %c0_i32_1 = arith.constant 0 : i32
    return %c0_i32, %c0_i32_0 : i32, i32
  }
  func.func @transform_4(%arg0: i32) -> (i32, i32) {
    %c0_i32 = arith.constant 0 : i32
    %c0_i32_0 = arith.constant 0 : i32
    %c0_i32_1 = arith.constant 0 : i32
    return %c0_i32, %c0_i32_0 : i32, i32
  }
  func.func @transform_5(%arg0: i32) -> (i32, i32) {
    %c0_i32 = arith.constant 0 : i32
    %c0_i32_0 = arith.constant 0 : i32
    return %arg0, %c0_i32 : i32, i32
  }
}

module attributes {stable_mosaic.version = 14 : i64} {
  func.func @_t1_body(%arg0: i32, %arg1: memref<1000x128xf32, #tpu.memory_space<vmem>>, %arg2: memref<128x128xf32, #tpu.memory_space<vmem>>, %arg3: memref<2x1000x128xf32, #tpu.memory_space<vmem>>, %arg4: memref<1000x128xf32, #tpu.memory_space<vmem>>) attributes {dimension_semantics = [#tpu.dimension_semantics<arbitrary>], iteration_bounds = array<i64: 10>, scalar_prefetch = 0 : i64, scratch_operands = 0 : i64, tpu.core_type = #tpu.core_type<tc>, window_params = [{transform_indices = @transform_0, window_bounds = array<i64: 1000, 128>}, {pipeline_mode = #tpu.pipeline_mode<synchronous>, transform_indices = @transform_1, window_bounds = array<i64: 128, 128>}, {transform_indices = @transform_2, window_bounds = array<i64: 2, 1000, 128>}, {transform_indices = @transform_3, window_bounds = array<i64: 1000, 128>}]} {
    %get3A = arith.constant 0 : index
    %get3A_0 = arith.constant 0 : index
    %get3A_1 = vector.load %arg1[%get3A, %get3A_0] : memref<1000x128xf32, #tpu.memory_space<vmem>>, vector<1000x128xf32>
    %get3A_2 = arith.constant 0 : index
    %get3A_3 = arith.constant 0 : index
    %get3A_4 = vector.load %arg2[%get3A_2, %get3A_3] : memref<128x128xf32, #tpu.memory_space<vmem>>, vector<128x128xf32>
    %dot_general3A = arith.constant dense<0.000000e+00> : vector<1000x128xf32>
    %dot_general3A_5 = tpu.matmul %get3A_1, %get3A_4, %dot_general3A {dimension_numbers = #tpu.dot_dimension_numbers<[1], [0], [0], [1], [0, 0, 1, 1], [], []>, precision = #tpu.contract_precision<fp32>, transpose_lhs_hint = false} : vector<1000x128xf32>, vector<128x128xf32>, vector<1000x128xf32> -> vector<1000x128xf32>
    %get3A_6 = arith.constant 0 : index
    %get3A_7 = arith.constant 0 : index
    %get3A_8 = arith.constant 0 : index
    %get3A_9 = vector.load %arg3[%get3A_6, %get3A_7, %get3A_8] : memref<2x1000x128xf32, #tpu.memory_space<vmem>>, vector<1x1000x1xf32>
    %get3A_10 = vector.shape_cast %get3A_9 : vector<1x1000x1xf32> to vector<1000x1xf32>
    %get3A_11 = arith.constant 1 : index
    %get3A_12 = arith.constant 0 : index
    %get3A_13 = arith.constant 0 : index
    %get3A_14 = vector.load %arg3[%get3A_11, %get3A_12, %get3A_13] : memref<2x1000x128xf32, #tpu.memory_space<vmem>>, vector<1x1000x1xf32>
    %get3A_15 = vector.shape_cast %get3A_14 : vector<1x1000x1xf32> to vector<1000x1xf32>
    %add3A = arith.addf %get3A_10, %get3A_15 : vector<1000x1xf32>
    %add3A_16 = arith.constant 1.000000e+00 : f32
    %add3A_17 = vector.broadcast %add3A_16 : f32 to vector<1000x1xf32>
    %add3A_18 = arith.addf %add3A, %add3A_17 : vector<1000x1xf32>
    %rsqrt3A = math.rsqrt %add3A_18 : vector<1000x1xf32>
    %mul3A = vector.broadcast %rsqrt3A : vector<1000x1xf32> to vector<1000x128xf32>
    %mul3A_19 = arith.mulf %mul3A, %dot_general3A_5 : vector<1000x128xf32>
    %swap3A = arith.constant 0 : index
    %swap3A_20 = arith.constant 0 : index
    %swap3A_21 = vector.load %arg4[%swap3A, %swap3A_20] : memref<1000x128xf32, #tpu.memory_space<vmem>>, vector<1000x128xf32>
    tpu.vector_store %arg4[%swap3A, %swap3A_20], %mul3A_19 {strides = array<i32>} : memref<1000x128xf32, #tpu.memory_space<vmem>>, vector<1000x128xf32>,
    return
  }
  func.func @transform_0(%arg0: i32) -> (i32, i32) {
    %c0_i32 = arith.constant 0 : i32
    %c0_i32_0 = arith.constant 0 : i32
    return %arg0, %c0_i32 : i32, i32
  }
  func.func @transform_1(%arg0: i32) -> (i32, i32) {
    %c0_i32 = arith.constant 0 : i32
    %c0_i32_0 = arith.constant 0 : i32
    %c0_i32_1 = arith.constant 0 : i32
    return %c0_i32, %c0_i32_0 : i32, i32
  }
  func.func @transform_2(%arg0: i32) -> (i32, i32, i32) {
    %c0_i32 = arith.constant 0 : i32
    %c0_i32_0 = arith.constant 0 : i32
    %c0_i32_1 = arith.constant 0 : i32
    return %c0_i32, %arg0, %c0_i32_0 : i32, i32, i32
  }
  func.func @transform_3(%arg0: i32) -> (i32, i32) {
    %c0_i32 = arith.constant 0 : i32
    %c0_i32_0 = arith.constant 0 : i32
    return %arg0, %c0_i32 : i32, i32
  }
}

module attributes {stable_mosaic.version = 14 : i64} {
  func.func @_t3_body(%arg0: i32, %arg1: memref<2x1000x128xf32, #tpu.memory_space<vmem>>, %arg2: memref<1000x128xf32, #tpu.memory_space<vmem>>, %arg3: memref<2x1000x128xf32, #tpu.memory_space<vmem>>, %arg4: memref<1x128xf32, #tpu.memory_space<vmem>>, %arg5: memref<1000x128xf32, #tpu.memory_space<vmem>>) attributes {dimension_semantics = [#tpu.dimension_semantics<arbitrary>], iteration_bounds = array<i64: 10>, scalar_prefetch = 0 : i64, scratch_operands = 0 : i64, tpu.core_type = #tpu.core_type<tc>, window_params = [{transform_indices = @transform_0, window_bounds = array<i64: 2, 1000, 128>}, {transform_indices = @transform_1, window_bounds = array<i64: 1000, 128>}, {transform_indices = @transform_2, window_bounds = array<i64: 2, 1000, 128>}, {pipeline_mode = #tpu.pipeline_mode<synchronous>, transform_indices = @transform_3, window_bounds = array<i64: 1, 128>}, {transform_indices = @transform_4, window_bounds = array<i64: 1000, 128>}]} {
    %get3A = arith.constant 0 : index
    %get3A_0 = arith.constant 0 : index
    %get3A_1 = arith.constant 0 : index
    %get3A_2 = vector.load %arg3[%get3A, %get3A_0, %get3A_1] : memref<2x1000x128xf32, #tpu.memory_space<vmem>>, vector<1x1000x1xf32>
    %get3A_3 = vector.shape_cast %get3A_2 : vector<1x1000x1xf32> to vector<1000x1xf32>
    %get3A_4 = arith.constant 1 : index
    %get3A_5 = arith.constant 0 : index
    %get3A_6 = arith.constant 0 : index
    %get3A_7 = vector.load %arg3[%get3A_4, %get3A_5, %get3A_6] : memref<2x1000x128xf32, #tpu.memory_space<vmem>>, vector<1x1000x1xf32>
    %get3A_8 = vector.shape_cast %get3A_7 : vector<1x1000x1xf32> to vector<1000x1xf32>
    %add3A = arith.addf %get3A_3, %get3A_8 : vector<1000x1xf32>
    %add3A_9 = arith.constant 1.000000e+00 : f32
    %add3A_10 = vector.broadcast %add3A_9 : f32 to vector<1000x1xf32>
    %add3A_11 = arith.addf %add3A, %add3A_10 : vector<1000x1xf32>
    %rsqrt3A = math.rsqrt %add3A_11 : vector<1000x1xf32>
    %get3A_12 = arith.constant 0 : index
    %get3A_13 = arith.constant 0 : index
    %get3A_14 = arith.constant 0 : index
    %get3A_15 = vector.load %arg1[%get3A_12, %get3A_13, %get3A_14] : memref<2x1000x128xf32, #tpu.memory_space<vmem>>, vector<1x1000x128xf32>
    %get3A_16 = vector.shape_cast %get3A_15 : vector<1x1000x128xf32> to vector<1000x128xf32>
    %get3A_17 = arith.constant 1 : index
    %get3A_18 = arith.constant 0 : index
    %get3A_19 = arith.constant 0 : index
    %get3A_20 = vector.load %arg1[%get3A_17, %get3A_18, %get3A_19] : memref<2x1000x128xf32, #tpu.memory_space<vmem>>, vector<1x1000x128xf32>
    %get3A_21 = vector.shape_cast %get3A_20 : vector<1x1000x128xf32> to vector<1000x128xf32>
    %add3A_22 = arith.addf %get3A_16, %get3A_21 : vector<1000x128xf32>
    %get3A_23 = arith.constant 0 : index
    %get3A_24 = arith.constant 0 : index
    %get3A_25 = vector.load %arg2[%get3A_23, %get3A_24] : memref<1000x128xf32, #tpu.memory_space<vmem>>, vector<1000x128xf32>
    %add3A_26 = arith.addf %add3A_22, %get3A_25 : vector<1000x128xf32>
    %mul3A = vector.broadcast %rsqrt3A : vector<1000x1xf32> to vector<1000x128xf32>
    %mul3A_27 = arith.mulf %mul3A, %add3A_26 : vector<1000x128xf32>
    %get3A_28 = arith.constant 0 : index
    %get3A_29 = arith.constant 0 : index
    %get3A_30 = vector.load %arg4[%get3A_28, %get3A_29] : memref<1x128xf32, #tpu.memory_space<vmem>>, vector<1x128xf32>
    %add3A_31 = vector.broadcast %get3A_30 : vector<1x128xf32> to vector<1000x128xf32>
    %add3A_32 = arith.addf %mul3A_27, %add3A_31 : vector<1000x128xf32>
    %swap3A = arith.constant 0 : index
    %swap3A_33 = arith.constant 0 : index
    %swap3A_34 = vector.load %arg5[%swap3A, %swap3A_33] : memref<1000x128xf32, #tpu.memory_space<vmem>>, vector<1000x128xf32>
    tpu.vector_store %arg5[%swap3A, %swap3A_33], %add3A_32 {strides = array<i32>} : memref<1000x128xf32, #tpu.memory_space<vmem>>, vector<1000x128xf32>,
    return
  }
  func.func @transform_0(%arg0: i32) -> (i32, i32, i32) {
    %c0_i32 = arith.constant 0 : i32
    %c0_i32_0 = arith.constant 0 : i32
    %c0_i32_1 = arith.constant 0 : i32
    return %c0_i32, %arg0, %c0_i32_0 : i32, i32, i32
  }
  func.func @transform_1(%arg0: i32) -> (i32, i32) {
    %c0_i32 = arith.constant 0 : i32
    %c0_i32_0 = arith.constant 0 : i32
    return %arg0, %c0_i32 : i32, i32
  }
  func.func @transform_2(%arg0: i32) -> (i32, i32, i32) {
    %c0_i32 = arith.constant 0 : i32
    %c0_i32_0 = arith.constant 0 : i32
    %c0_i32_1 = arith.constant 0 : i32
    return %c0_i32, %arg0, %c0_i32_0 : i32, i32, i32
  }
  func.func @transform_3(%arg0: i32) -> (i32, i32) {
    %c0_i32 = arith.constant 0 : i32
    %c0_i32_0 = arith.constant 0 : i32
    %c0_i32_1 = arith.constant 0 : i32
    return %c0_i32, %c0_i32_0 : i32, i32
  }
  func.func @transform_4(%arg0: i32) -> (i32, i32) {
    %c0_i32 = arith.constant 0 : i32
    %c0_i32_0 = arith.constant 0 : i32
    return %arg0, %c0_i32 : i32, i32
  }
}

</mosaic_0001>

<sc_bundles>
// kernel: kernel.11.cloned.1.call-start
scs
__scs_entry_jumppad:
0x0: {  	(pc) =	sbr.rel $0x88, $3  }
0x1: {  	(tag) =	ssettag $0x0;
	lr =	simm.s32 $0x1  }
0x2: {  	[smem:$0x3F9B] =	sst lr;
	_ =	strace $0xD0000000  }
0x3: {  	_ = 	snop  }
0x4: {  	_ = 	snop  }
0x5: {  	_ = 	snop  }
0x6: {  	_ = 	snop  }
0x7: {  	_ = 	snop  }
__scs_overlays_trampoline_lowered:
0x8: {  	[smem:$0x3FAA] =	sst s0  }
0x9: {  	[smem:$0x3FAB] =	sst s1  }
0xa: {  	[smem:$0x3FAC] =	sst s2  }
0xb: {  	[smem:$0x3FAD] =	sst s3  }
0xc: {  	[smem:$0x3FAE] =	sst s4  }
0xd: {  	[smem:$0x3FAF] =	sst s5  }
0xe: {  	[smem:$0x3FB0] =	sst s6  }
0xf: {  	[smem:$0x3FB1] =	sst s7  }
0x10: {  	[smem:$0x3FB2] =	sst s8  }
0x11: {  	[smem:$0x3FB3] =	sst s9;
	s0 =	simm.s32 @!p0 $0x0  }
0x12: {  	s1 =	sld [smem:$0x3F99];
	s0 =	simm.s32 @p0 $0x1  }
0x13: {  	[smem:$0x3FB4] =	sst s0;
	s0 =	simm.s32 @!p1 $0x0  }
0x14: {  	s2 =	sld [smem:$0x3F98];
	s0 =	simm.s32 @p1 $0x1  }
0x15: {  	[smem:$0x3FB5] =	sst s0;
	s0 =	simm.s32 @!p2 $0x0  }
0x16: {  	s3 =	sld [smem:$0x3FDB];
	s0 =	simm.s32 @p2 $0x1  }
0x17: {  	s4 =	simm.s32 $0x1BF5;
	[smem:$0x3FB7] =	sst s0  }
0x18: {  	s0 =	sld [smem:$0x3F9A];
	_ =	swait.ge [sflag:s4], $0x0  }
0x19: {  	s7 =	sld [smem:$0x3F9B]  }
0x1a: {  	s8 =	sadd.s32 $0xFFFFE003, lr  }
0x1b: {  	s9 =	sadd.s32 $0xFFFFFEF7, lr;
	s5 =	simm.s32 $0xFFFFFFFF;
	p2 =	slt.u32 s8, $0xFFFFF086  }
0x1c: {  	p1 =	slt.u32 s9, $0xF7A;
	s5 =	simm.s32 @!p2 $0x0  }
0x1d: {  	s5 =	simm.s32 @p1 $0x1;
	p0 =	seq.s32 s7, s2  }
0x1e: {  	s7 =	smul.u32 @!p0 $0xF7A, s2;
	p2 =	seq.s32 @!p0 s5, $0x0  }
0x1f: {  	s9 =	smul.u32 $0xF7A, s1;
	s8 =	simm.s32 @!p0 $0x1BF5;
	p2 =	por !p2, p0  }
0x20: {  	[sflag:s8] =	ssyncset.s32 @!p0 $0xFFFFF086;
	s6 =	sadd.s32 @!p0 s3, s7;
	s7 =	simm.s32 @!p0 $0x108  }
0x21: {  	s3 =	sadd.s32 s3, s9;
	s6 =	sadd.s32 @!p0 $0x88, s6;
	s7 =	simm.s32 @p2 $0x1082  }
0x22: {  	[simem:s7], [sflag:s8] =	dma.local @!p0 [hbm:s6], $0xF7A  }
0x23: {  	s9 =	sor.u32 $0xD0000000, s2;
	s6 =	simm.s32 $0x108;
	_ =	swait.ge @!p0 [sflag:s8], $0x0  }
0x24: {  	s3 =	sadd.s32 $0x88, s3;
	s6 =	simm.s32 @!p1 $0x1082;
	[sflag:s4] =	ssyncset.s32 $0xFFFFF086  }
0x25: {  	[simem:s6], [sflag:s4] =	dma.local [hbm:s3], $0xF7A  }
0x26: {  	[smem:$0x3F9B] =	sst s1;
	(tag) =	ssettag s2;
	_ =	strace s9  }
0x27: {  	s1 =	sld [smem:$0x3FAB]  }
0x28: {  	s2 =	sld [smem:$0x3FAC]  }
0x29: {  	s4 =	sld [smem:$0x3FAE]  }
0x2a: {  	p0 =	seq.s32 s5, $0x0;
	s5 =	sld [smem:$0x3FAF]  }
0x2b: {  	s6 =	sld [smem:$0x3FB0]  }
0x2c: {  	s7 =	sld [smem:$0x3FB1]  }
0x2d: {  	s3 =	simm.s32 $0x108;
	s8 =	sld [smem:$0x3FB2]  }
0x2e: {  	s3 =	simm.s32 @!p0 $0x1082;
	s9 =	sld [smem:$0x3FB3]  }
0x2f: {  	lr =	sadd.s32 s0, s3;
	s0 =	sld [smem:$0x3FAA]  }
0x30: {  	s3 =	sld [smem:$0x3FAD]  }
0x31: {  	[smem:$0x3FB6] =	sst s10  }
0x32: {  	s10 =	sld [smem:$0x3FB4];
	_ =	sdelay $0x3  }
0x33: {  	p0 =	seq.s32 s10, $0x1;
	s10 =	sld [smem:$0x3FB6];
	_ =	sdelay $0x3  }
0x34: {  	[smem:$0x3FB6] =	sst s10  }
0x35: {  	s10 =	sld [smem:$0x3FB5];
	_ =	sdelay $0x3  }
0x36: {  	p1 =	seq.s32 s10, $0x1;
	s10 =	sld [smem:$0x3FB6];
	_ =	sdelay $0x3  }
0x37: {  	[smem:$0x3FB6] =	sst s10  }
0x38: {  	s10 =	sld [smem:$0x3FB7]  }
0x39: {  	_ = 	snop;
	(pc) =	sbr.ind lr, $3  }
0x3a: {  	_ = 	snop  }
0x3b: {  	_ = 	snop  }
0x3c: {  	p2 =	seq.s32 s10, $0x1;
	s10 =	sld [smem:$0x3FB6]  }
0x3d: {  	_ =	shalt  }
0x3e: {  	_ =	shalt  }
0x3f: {  	_ =	shalt  }
0x40: {  	_ =	shalt  }
0x41: {  	_ =	shalt  }
0x42: {  	_ =	shalt  }
0x43: {  	_ =	shalt  }
0x44: {  	_ =	shalt  }
0x45: {  	_ =	shalt  }
0x46: {  	_ =	shalt  }
0x47: {  	_ =	shalt  }
0x48: {  	_ =	shalt  }
0x49: {  	_ =	shalt  }
0x4a: {  	_ =	shalt  }
0x4b: {  	_ =	shalt  }
0x4c: {  	_ =	shalt  }
0x4d: {  	_ =	shalt  }
0x4e: {  	_ =	shalt  }
0x4f: {  	_ =	shalt  }
0x50: {  	_ =	shalt  }
0x51: {  	_ =	shalt  }
0x52: {  	_ =	shalt  }
0x53: {  	_ =	shalt  }
0x54: {  	_ =	shalt  }
0x55: {  	_ =	shalt  }
0x56: {  	_ =	shalt  }
0x57: {  	_ =	shalt  }
0x58: {  	_ =	shalt  }
0x59: {  	_ =	shalt  }
0x5a: {  	_ =	shalt  }
0x5b: {  	_ =	shalt  }
0x5c: {  	_ =	shalt  }
0x5d: {  	_ =	shalt  }
0x5e: {  	_ =	shalt  }
0x5f: {  	_ =	shalt  }
0x60: {  	_ =	shalt  }
0x61: {  	_ =	shalt  }
0x62: {  	_ =	shalt  }
0x63: {  	_ =	shalt  }
0x64: {  	_ =	shalt  }
0x65: {  	_ =	shalt  }
0x66: {  	_ =	shalt  }
0x67: {  	_ =	shalt  }
0x68: {  	_ =	shalt  }
0x69: {  	_ =	shalt  }
0x6a: {  	_ =	shalt  }
0x6b: {  	_ =	shalt  }
0x6c: {  	_ =	shalt  }
0x6d: {  	_ =	shalt  }
0x6e: {  	_ =	shalt  }
0x6f: {  	_ =	shalt  }
0x70: {  	_ =	shalt  }
0x71: {  	_ =	shalt  }
0x72: {  	_ =	shalt  }
0x73: {  	_ =	shalt  }
0x74: {  	_ =	shalt  }
0x75: {  	_ =	shalt  }
0x76: {  	_ =	shalt  }
0x77: {  	_ =	shalt  }
0x78: {  	_ =	shalt  }
0x79: {  	_ =	shalt  }
0x7a: {  	_ =	shalt  }
0x7b: {  	_ =	shalt  }
0x7c: {  	_ =	shalt  }
0x7d: {  	_ =	shalt  }
0x7e: {  	_ =	shalt  }
0x7f: {  	_ =	shalt  }
0x80: {  	_ =	shalt  }
0x81: {  	_ =	shalt  }
0x82: {  	_ =	shalt  }
0x83: {  	_ =	shalt  }
0x84: {  	_ =	shalt  }
0x85: {  	_ =	shalt  }
0x86: {  	_ =	shalt  }
0x87: {  	_ =	shalt  }
.Lfunc_end0:
.L_simem_size_0:
called_computation.1_lowered:
.L_overlay_start_0:
0x88: {  	s2 =	sld [smem:$0x3FD9]  }
0x89: {  	s3 =	sld [smem:$0x3FFE];
	_ =	sdelay $0x1  }
0x8a: {  	s1 =	srdreg.scid  }
0x8b: {  	s0 =	sand.u32 $0x1, s1  }
0x8c: {  	s17 =	sshll.u32 s0, $0xA;
	s2 =	sadd.s32 s3, s2  }
0x8d: {  	s2 =	sadd.s32 s2, s17  }
0x8e: {  	[smem:$0x3FC2] =	sst s2  }
0x8f: {  	_ = 	snop  }
0x90: {  	s2 =	sld [smem:$0x3FD0];
	(tm) =	ssettm $0x1  }
0x91: {  	s18 =	sld [smem:$0x3FFB];
	_ =	sdelay $0x3  }
0x92: {  	_ =	strace s18  }
0x93: {  	s3 =	sld [smem:$0x3FFC];
	_ =	sdelay $0x3  }
0x94: {  	_ =	strace s3  }
0x95: {  	s3 =	sld [smem:$0x3FFD];
	_ =	sdelay $0x3  }
0x96: {  	_ =	strace s3  }
0x97: {  	_ =	strace $0x8FFFFFFF  }
0x98: {  	s19 =	sld [smem:$0x3FDB];
	_ =	sdelay $0x1  }
0x99: {  	s4 =	simm.s32 $_scs_section_size  }
0x9a: {  	s5 =	simm.s32 $_size__tile_overlayer_lowered;
	s6 =	simm.s32 $_tile_overlayer_lowered  }
0x9b: {  	s22 =	simm.s32 $0x1BFF;
	s21 =	sshll.u32 s6, $0x1;
	s3 =	sadd.s32 s4, s19  }
0x9c: {  	s7 =	simm.s32 $0x0;
	s20 =	sshll.u32 s5, $0x1;
	s5 =	sadd.s32 s21, s3  }
0x9d: {  	[timem:s7], [sflag:s22] =	dma.local [hbm:s5], s20  }
0x9e: {  	_ =	swait.ge [sflag:s22], s20  }
0x9f: {  	s4 =	ssub.s32 $0x0, s20;
	[sflag:s22] =	ssyncset.done $0x0  }
0xa0: {  	[sflag:s22] =	ssyncadd.s32 s4;
	_ =	sdelay $0x1  }
0xa1: {  	s23 =	simm.s32 $0x1B8B  }
0xa2: {  	_ =	swait.ge [sflag:s23], $0x1  }
0xa3: {  	[sflag:s23] =	ssyncset.done $0x0  }
0xa4: {  	s25 =	simm.s32 $0x1B8E;
	s24 =	sld [smem:$0x3FFE];
	[sflag:s23] =	ssyncadd.s32 $0xFFFFFFFF  }
0xa5: {  	s26 =	simm.s32 $execute0_lowered;
	[smem:$0x3FD2] =	sst s25  }
0xa6: {  	s5 =	sshll.u32 s26, $0x1;
	_ =	strace $0x80000049;
	[dreg:$0x1] =	wrdreg $0xFFFFFFFF  }
0xa7: {  	s28 =	simm.s32 $_size_execute0_lowered;
	s3 =	sadd.s32 s3, s5;
	[dreg:$0x0] =	wrdreg $0x0  }
0xa8: {  	s5 =	sshll.u32 s28, $0x1;
	[dreg:$0x2] =	wrdreg s3  }
0xa9: {  	[dreg:$0x3] =	wrdreg s5  }
0xaa: {  	[dreg:$0x4] =	wrdreg $0xC0  }
0xab: {  	_ =	task [dreg:s7], $0x5FFFF  }
0xac: {  	[dreg:$0x1] =	wrdreg $0xFFFFFFFF  }
0xad: {  	[dreg:$0x0] =	wrdreg $0x60  }
0xae: {  	[dreg:$0x2] =	wrdreg s2  }
0xaf: {  	[dreg:$0x3] =	wrdreg s24  }
0xb0: {  	[dreg:$0x4] =	wrdreg $0xBC000  }
0xb1: {  	[dreg:$0x5] =	wrdreg $0x9  }
0xb2: {  	_ =	task.clear_ibuf [dreg:s7], $0x6FFFF;
	_ =	strace $0x90000049  }
0xb3: {  	s29 =	simm.s32 $0x9;
	_ =	strace $0x8000004B  }
0xb4: {  	_ =	swait.ge [sflag:s29], $0x1  }
0xb5: {  	[sflag:s29] =	ssyncadd.s32 $0xFFFFFFFF  }
0xb6: {  	_ =	strace $0x9000004B  }
0xb7: {  	_ =	sfence  }
0xb8: {  	s30 =	sld [smem:$0x0];
	_ =	sdelay $0x2  }
0xb9: {  	s31 =	sshll.u32 s1, $0xD;
	s1 =	sshrl.u32 s1, $0x2  }
0xba: {  	s3 =	sand.u32 $0x4000, s31;
	s1 =	sadd.s32 s1, s30  }
0xbb: {  	s0 =	sor.u32 s3, s0;
	s1 =	sshll.u32 s1, $0x11  }
0xbc: {  	s0 =	sor.u32 s1, s0  }
0xbd: {  	s0 =	sadd.s32 $0x8F2B, s0  }
0xbe: {  	[sflag:s0] =	ssyncadd.remote.s32 $0x1  }
0xbf: {  	_ =	sfence.sel $0xFFFF  }
0xc0: {  	[dreg:$0x0] =	wrdreg $0xFFFFFFFF;
	(pc) =	sbr.abs _section_cstart, $3  }
0xc1: {  	[dreg:$0x1] =	wrdreg $0xFFFFFFFF  }
0xc2: {  	_ =	task.clear_ibuf [dreg:s7], $0x2FFFF;
	_ =	strace $0x9FFFFFFF  }
0xc3: {  	(tm) =	ssettm $0x7FFFFFFF  }
tec
execute0_lowered:
.L_overlay_start_1:
0x0: {  	(tag) =	ssettag $0x1  }
0x1: {  	s1 =	rddreg [dreg:$0x0]  }
0x2: {  	s2 =	srdreg.scid;
	s6 =	rddreg [dreg:$0x1]  }
0x3: {  	s0 =	stileid.u32;
	s3 =	rddreg [dreg:$0x2];
	s4 =	simm.s32 $0x0  }
0x4: {  	s16 =	simm.s32 $0x3C00;
	s17 =	simm.s32 $0x7C00;
	s18 =	simm.s32 $0x1  }
0x5: {  	s19 =	simm.s32 $0x2;
	s20 =	simm.s32 $0x1380;
	s21 =	simm.s32 $0x2700  }
0x6: {  	s22 =	simm.s32 $0x2780;
	s23 =	simm.s32 $0x3B00;
	s24 =	simm.s32 $0x3B80  }
0x7: {  	s25 =	simm.s32 $0x0;
	s7 =	sand.u32 $0x1, s2;
	s2 =	rddreg [dreg:$0x3]  }
0x8: {  	s26 =	sshll.u32 s0, $0x1;
	[smem:$0x7FF] =	sst s4;
	s11 =	smul.u32 $0x13C00, s0  }
0x9: {  	s12 =	sadd.s32 $0xCA00, s6;
	s5 =	sadd.s32 $0x16A00, s6;
	s28 =	smul.u32 $0x4F000, s0  }
0xa: {  	s30 =	sshll.u32 s0, $0x6;
	s8 =	sor.u32 s7, s26;
	s10 =	smul.u32 $0x13C000, s7  }
0xb: {  	_ =	strace $0x8000004A;
	s7 =	ssub.s32 $0x2, s7;
	s9 =	smul.u32 $0x500, s8  }
0xc: {  	s14 =	sshrl.u32 s7, $0x1;
	s8 =	smul.u32 $0x2800, s8;
	s29 =	sshrl.u32 s28, $0x2  }
0xd: {  	s10 =	sadd.s32 s11, s10;
	s14 =	ssub.s32 s7, s14;
	s15 =	sadd.s32 s29, s3  }
0xe: {  	s13 =	sadd.s32 s9, s6;
	s10 =	sshrl.u32 s10, $0x3;
	s8 =	sshrl.u32 s8, $0x3  }
0xf: {  	s11 =	smax.u32 s14, $0x1;
	s14 =	simm.s32 $0x1400;
	s10 =	sadd.s32 s10, s6  }
0x10: {  	s6 =	sor.u32 $0x1C03, s30;
	s7 =	sadd.s32 $0x2A00, s13;
	s31 =	sadd.s32 s12, s8  }
0x11: {  	s8 =	sadd.s32 s12, s9;
	s12 =	sshrl.u32 s15, $0x3;
	s13 =	simm.s32 $0x3  }
0x12: {  	s15 =	simm.s32 $0x80;
	s9 =	sadd.s32 $0x280, s31;
	s10 =	sadd.s32 $0x68200, s10  }
.LBB2_1:
0x13: {  	[spmem:s12], [sflag:s6] =	dma.local [hbm:s5], $0x2780  }
0x14: {  	_ =	swait.ge [sflag:s13], $0x2780  }
0x15: {  	[sflag:s13] =	ssyncset.done $0x0  }
0x16: {  	[sflag:s13] =	ssyncadd.s32 $0xFFFFD880  }
0x17: {  	[tilespmem:s14], [sflag:$0x3] =	stream.linear.gather [hbm4b:s7+s4], $0x2800, $0x38;
	[tilespmem:$0x1F800] =	vst v63  }
0x18: {  	_ =	swait.ge [sflag:s13], $0x2800  }
0x19: {  	[sflag:s13] =	ssyncset.done $0x0  }
0x1a: {  	[sflag:s13] =	ssyncadd.s32 $0xFFFFD800  }
0x1b: {  	[bflag:$0x0] =	sbarrier.arrive $0xFFFF  }
0x1c: {  	[tilespmem:s4], [sflag:$0x3] =	stream.linear.gather [hbm4b:s8+s4], $0x1400, $0x38;
	[tilespmem:$0x1F800] =	vst v63  }
0x1d: {  	_ =	swait.ge [sflag:s13], $0x1400  }
0x1e: {  	[sflag:s13] =	ssyncset.done $0x0  }
0x1f: {  	[sflag:s13] =	ssyncadd.s32 $0xFFFFEC00  }
0x20: {  	[tilespmem:s16], [sflag:$0x1] =	stream.indirect.gather [hbm4b:s1+s15], $0x80, s4, s15, $0xb8;
	[tilespmem:$0x1F800] =	vst v63  }
0x21: {  	s26 =	simm.s32 $0x80  }
0x22: {  	[tilespmem:s17], [sflag:$0x2] =	stream.indirect.gather [hbm4b:s1+s15], $0x80, s26, s15, $0xb8;
	[tilespmem:$0x1F800] =	vst v63  }
0x23: {  	_ =	swait.ge [sflag:s18], $0x4000  }
0x24: {  	[sflag:s18] =	ssyncset.done $0x0  }
0x25: {  	s29 =	simm.s32 $0x1400;
	[sflag:s18] =	ssyncadd.s32 $0xFFFFC000  }
0x26: {  	[spmem:s3] =	stream.indirect.scatter.add.f32 [tilespmem:s16], [sflag:$0x3], $0x80, s29, s15, $0xb8;
	[tilespmem:$0x1F800] =	vst v63  }
0x27: {  	_ =	swait.ge [sflag:s13], $0x4000  }
0x28: {  	[sflag:s13] =	ssyncset.done $0x0  }
0x29: {  	s30 =	simm.s32 $0x100;
	[sflag:s13] =	ssyncadd.s32 $0xFFFFC000  }
0x2a: {  	[tilespmem:s16], [sflag:$0x1] =	stream.indirect.gather [hbm4b:s1+s15], $0x80, s30, s15, $0xb8;
	[tilespmem:$0x1F800] =	vst v63  }
0x2b: {  	_ =	swait.ge [sflag:s19], $0x4000  }
0x2c: {  	[sflag:s19] =	ssyncset.done $0x0  }
0x2d: {  	s31 =	simm.s32 $0x1480;
	[sflag:s19] =	ssyncadd.s32 $0xFFFFC000  }
0x2e: {  	[spmem:s3] =	stream.indirect.scatter.add.f32 [tilespmem:s17], [sflag:$0x3], $0x80, s31, s15, $0xb8;
	[tilespmem:$0x1F800] =	vst v63  }
0x2f: {  	_ =	swait.ge [sflag:s13], $0x4000  }
0x30: {  	s28 =	simm.s32 $0x800;
	s26 =	simm.s32 $0x100;
	[sflag:s13] =	ssyncset.done $0x0  }
.LBB2_2:
0x31: {  	s29 =	sadd.s32 $0x80, s26  }
0x32: {  	[sflag:s13] =	ssyncadd.s32 $0xFFFFC000;
	s30 =	smov.u32 s28;
	s31 =	sadd.s32 $0x400, s28  }
0x33: {  	[tilespmem:s17], [sflag:$0x2] =	stream.indirect.gather [hbm4b:s1+s15], $0x80, s29, s15, $0xb8;
	[tilespmem:$0x1F800] =	vst v63  }
0x34: {  	p0 =	sne.s32 s28, $0x4800;
	_ =	swait.ge [sflag:s18], $0x4000  }
0x35: {  	[sflag:s18] =	ssyncset.done $0x0  }
0x36: {  	s28 =	sadd.s32 $0x1400, s26;
	[sflag:s18] =	ssyncadd.s32 $0xFFFFC000  }
0x37: {  	[spmem:s3] =	stream.indirect.scatter.add.f32 [tilespmem:s16], [sflag:$0x3], $0x80, s28, s15, $0xb8;
	[tilespmem:$0x1F800] =	vst v63  }
0x38: {  	_ =	swait.ge [sflag:s13], $0x4000  }
0x39: {  	[sflag:s13] =	ssyncset.done $0x0  }
0x3a: {  	s28 =	sadd.s32 $0x100, s26;
	[sflag:s13] =	ssyncadd.s32 $0xFFFFC000  }
0x3b: {  	[tilespmem:s16], [sflag:$0x1] =	stream.indirect.gather [hbm4b:s1+s15], $0x80, s28, s15, $0xb8;
	[tilespmem:$0x1F800] =	vst v63  }
0x3c: {  	_ =	swait.ge [sflag:s19], $0x4000  }
.Ltmp0:
0x3d: {  	[sflag:s19] =	ssyncset.done $0x0;
	(pc) =	sbr.rel @p0 .LBB2_2-.Ltmp0, $4  }
0x3e: {  	s26 =	sadd.s32 $0x1480, s26;
	[sflag:s19] =	ssyncadd.s32 $0xFFFFC000  }
0x3f: {  	[spmem:s3] =	stream.indirect.scatter.add.f32 [tilespmem:s17], [sflag:$0x3], $0x80, s26, s15, $0xb8;
	[tilespmem:$0x1F800] =	vst v63  }
0x40: {  	_ =	swait.ge [sflag:s13], $0x4000  }
0x41: {  	s28 =	smov.u32 s31;
	s26 =	sshra.s32 s30, $0x2;
	[sflag:s13] =	ssyncset.done $0x0  }
0x42: {  	s28 =	sadd.s32 $0x80, s26;
	[sflag:s13] =	ssyncadd.s32 $0xFFFFC000  }
0x43: {  	[tilespmem:s17], [sflag:$0x2] =	stream.indirect.gather [hbm4b:s1+s15], $0x80, s28, s15, $0xb8;
	[tilespmem:$0x1F800] =	vst v63  }
0x44: {  	_ =	swait.ge [sflag:s18], $0x4000  }
0x45: {  	[sflag:s18] =	ssyncset.done $0x0  }
0x46: {  	s28 =	sadd.s32 $0x1400, s26;
	[sflag:s18] =	ssyncadd.s32 $0xFFFFC000  }
0x47: {  	[spmem:s3] =	stream.indirect.scatter.add.f32 [tilespmem:s16], [sflag:$0x3], $0x80, s28, s15, $0xb8;
	[tilespmem:$0x1F800] =	vst v63  }
0x48: {  	_ =	swait.ge [sflag:s13], $0x4000  }
0x49: {  	[sflag:s13] =	ssyncset.done $0x0  }
0x4a: {  	s28 =	sadd.s32 $0x100, s26;
	[sflag:s13] =	ssyncadd.s32 $0xFFFFC000  }
0x4b: {  	[tilespmem:s16], [sflag:$0x1] =	stream.indirect.gather [hbm4b:s1+s15], $0x80, s28, s15, $0xb8;
	[tilespmem:$0x1F800] =	vst v63  }
0x4c: {  	_ =	swait.ge [sflag:s19], $0x4000  }
0x4d: {  	[sflag:s19] =	ssyncset.done $0x0  }
0x4e: {  	s30 =	sadd.s32 $0x1480, s26;
	[sflag:s19] =	ssyncadd.s32 $0xFFFFC000  }
0x4f: {  	[spmem:s3] =	stream.indirect.scatter.add.f32 [tilespmem:s17], [sflag:$0x3], $0x80, s30, s15, $0xb8;
	[tilespmem:$0x1F800] =	vst v63  }
0x50: {  	_ =	swait.ge [sflag:s13], $0x4000  }
0x51: {  	[sflag:s13] =	ssyncset.done $0x0  }
0x52: {  	[sflag:s13] =	ssyncadd.s32 $0xFFFFC000  }
0x53: {  	[tilespmem:s17], [sflag:$0x2] =	stream.indirect.gather [hbm4b:s1+s15], $0x80, s20, s15, $0xb8;
	[tilespmem:$0x1F800] =	vst v63  }
0x54: {  	_ =	swait.ge [sflag:s18], $0x4000  }
0x55: {  	[sflag:s18] =	ssyncset.done $0x0  }
0x56: {  	[sflag:s18] =	ssyncadd.s32 $0xFFFFC000  }
0x57: {  	[spmem:s3] =	stream.indirect.scatter.add.f32 [tilespmem:s16], [sflag:$0x3], $0x80, s21, s15, $0xb8;
	[tilespmem:$0x1F800] =	vst v63  }
0x58: {  	_ =	swait.ge [sflag:s13], $0x4000  }
0x59: {  	[sflag:s13] =	ssyncset.done $0x0  }
0x5a: {  	[sflag:s13] =	ssyncadd.s32 $0xFFFFC000  }
0x5b: {  	_ =	swait.ge [sflag:s19], $0x4000  }
0x5c: {  	[sflag:s19] =	ssyncset.done $0x0  }
0x5d: {  	[sflag:s19] =	ssyncadd.s32 $0xFFFFC000  }
0x5e: {  	[spmem:s3] =	stream.indirect.scatter.add.f32 [tilespmem:s17], [sflag:$0x3], $0x80, s22, s15, $0xb8;
	[tilespmem:$0x1F800] =	vst v63  }
0x5f: {  	_ =	swait.ge [sflag:s13], $0x4000  }
0x60: {  	[sflag:s13] =	ssyncset.done $0x0  }
0x61: {  	[sflag:s13] =	ssyncadd.s32 $0xFFFFC000  }
0x62: {  	[tilespmem:s4], [sflag:$0x3] =	stream.linear.gather [hbm4b:s9+s4], $0x1400, $0x38;
	[tilespmem:$0x1F800] =	vst v63  }
0x63: {  	_ =	swait.ge [sflag:s13], $0x1400  }
0x64: {  	[sflag:s13] =	ssyncset.done $0x0  }
0x65: {  	[sflag:s13] =	ssyncadd.s32 $0xFFFFEC00  }
0x66: {  	[tilespmem:s16], [sflag:$0x1] =	stream.indirect.gather [hbm4b:s1+s15], $0x80, s4, s15, $0xb8;
	[tilespmem:$0x1F800] =	vst v63  }
0x67: {  	s31 =	simm.s32 $0x80  }
0x68: {  	[tilespmem:s17], [sflag:$0x2] =	stream.indirect.gather [hbm4b:s1+s15], $0x80, s31, s15, $0xb8;
	[tilespmem:$0x1F800] =	vst v63  }
0x69: {  	_ =	swait.ge [sflag:s18], $0x4000  }
0x6a: {  	[sflag:s18] =	ssyncset.done $0x0  }
0x6b: {  	s29 =	simm.s32 $0x2800;
	[sflag:s18] =	ssyncadd.s32 $0xFFFFC000  }
0x6c: {  	[spmem:s3] =	stream.indirect.scatter.add.f32 [tilespmem:s16], [sflag:$0x3], $0x80, s29, s15, $0xb8;
	[tilespmem:$0x1F800] =	vst v63  }
0x6d: {  	_ =	swait.ge [sflag:s13], $0x4000  }
0x6e: {  	[sflag:s13] =	ssyncset.done $0x0  }
0x6f: {  	s30 =	simm.s32 $0x100;
	[sflag:s13] =	ssyncadd.s32 $0xFFFFC000  }
0x70: {  	[tilespmem:s16], [sflag:$0x1] =	stream.indirect.gather [hbm4b:s1+s15], $0x80, s30, s15, $0xb8;
	[tilespmem:$0x1F800] =	vst v63  }
0x71: {  	_ =	swait.ge [sflag:s19], $0x4000  }
0x72: {  	[sflag:s19] =	ssyncset.done $0x0  }
0x73: {  	s31 =	simm.s32 $0x2880;
	[sflag:s19] =	ssyncadd.s32 $0xFFFFC000  }
0x74: {  	[spmem:s3] =	stream.indirect.scatter.add.f32 [tilespmem:s17], [sflag:$0x3], $0x80, s31, s15, $0xb8;
	[tilespmem:$0x1F800] =	vst v63  }
0x75: {  	_ =	swait.ge [sflag:s13], $0x4000  }
0x76: {  	s26 =	simm.s32 $0xFFFFEE00;
	s28 =	simm.s32 $0xFFFFBC00;
	[sflag:s13] =	ssyncset.done $0x0  }
.LBB2_4:
0x77: {  	s29 =	sadd.s32 $0x1380, s26  }
0x78: {  	[sflag:s13] =	ssyncadd.s32 $0xFFFFC000;
	s30 =	smov.u32 s28;
	s31 =	sadd.s32 $0x400, s28  }
0x79: {  	[tilespmem:s17], [sflag:$0x2] =	stream.indirect.gather [hbm4b:s1+s15], $0x80, s29, s15, $0xb8;
	[tilespmem:$0x1F800] =	vst v63  }
0x7a: {  	p0 =	sne.s32 s28, $0xFFFFFC00;
	_ =	swait.ge [sflag:s18], $0x4000  }
0x7b: {  	[sflag:s18] =	ssyncset.done $0x0  }
0x7c: {  	s28 =	sadd.s32 $0x3B00, s26;
	[sflag:s18] =	ssyncadd.s32 $0xFFFFC000  }
0x7d: {  	[spmem:s3] =	stream.indirect.scatter.add.f32 [tilespmem:s16], [sflag:$0x3], $0x80, s28, s15, $0xb8;
	[tilespmem:$0x1F800] =	vst v63  }
0x7e: {  	_ =	swait.ge [sflag:s13], $0x4000  }
0x7f: {  	[sflag:s13] =	ssyncset.done $0x0  }
0x80: {  	s28 =	sadd.s32 $0x1400, s26;
	[sflag:s13] =	ssyncadd.s32 $0xFFFFC000  }
0x81: {  	[tilespmem:s16], [sflag:$0x1] =	stream.indirect.gather [hbm4b:s1+s15], $0x80, s28, s15, $0xb8;
	[tilespmem:$0x1F800] =	vst v63  }
0x82: {  	_ =	swait.ge [sflag:s19], $0x4000  }
.Ltmp1:
0x83: {  	[sflag:s19] =	ssyncset.done $0x0;
	(pc) =	sbr.rel @p0 .LBB2_4-.Ltmp1, $4  }
0x84: {  	s26 =	sadd.s32 $0x3B80, s26;
	[sflag:s19] =	ssyncadd.s32 $0xFFFFC000  }
0x85: {  	[spmem:s3] =	stream.indirect.scatter.add.f32 [tilespmem:s17], [sflag:$0x3], $0x80, s26, s15, $0xb8;
	[tilespmem:$0x1F800] =	vst v63  }
0x86: {  	_ =	swait.ge [sflag:s13], $0x4000  }
0x87: {  	s28 =	smov.u32 s31;
	s26 =	sshra.s32 s30, $0x2;
	[sflag:s13] =	ssyncset.done $0x0  }
0x88: {  	s28 =	sadd.s32 $0x1380, s26;
	[sflag:s13] =	ssyncadd.s32 $0xFFFFC000  }
0x89: {  	[tilespmem:s17], [sflag:$0x2] =	stream.indirect.gather [hbm4b:s1+s15], $0x80, s28, s15, $0xb8;
	[tilespmem:$0x1F800] =	vst v63  }
0x8a: {  	_ =	swait.ge [sflag:s18], $0x4000  }
0x8b: {  	[sflag:s18] =	ssyncset.done $0x0  }
0x8c: {  	s29 =	sadd.s32 $0x3B00, s26;
	[sflag:s18] =	ssyncadd.s32 $0xFFFFC000  }
0x8d: {  	[spmem:s3] =	stream.indirect.scatter.add.f32 [tilespmem:s16], [sflag:$0x3], $0x80, s29, s15, $0xb8;
	[tilespmem:$0x1F800] =	vst v63  }
0x8e: {  	_ =	swait.ge [sflag:s13], $0x4000  }
0x8f: {  	[sflag:s13] =	ssyncset.done $0x0  }
0x90: {  	s30 =	sadd.s32 $0x1400, s26;
	[sflag:s13] =	ssyncadd.s32 $0xFFFFC000  }
0x91: {  	[tilespmem:s16], [sflag:$0x1] =	stream.indirect.gather [hbm4b:s1+s15], $0x80, s30, s15, $0xb8;
	[tilespmem:$0x1F800] =	vst v63  }
0x92: {  	_ =	swait.ge [sflag:s19], $0x4000  }
0x93: {  	[sflag:s19] =	ssyncset.done $0x0  }
0x94: {  	s31 =	sadd.s32 $0x3B80, s26;
	[sflag:s19] =	ssyncadd.s32 $0xFFFFC000  }
0x95: {  	[spmem:s3] =	stream.indirect.scatter.add.f32 [tilespmem:s17], [sflag:$0x3], $0x80, s31, s15, $0xb8;
	[tilespmem:$0x1F800] =	vst v63  }
0x96: {  	_ =	swait.ge [sflag:s13], $0x4000  }
0x97: {  	[sflag:s13] =	ssyncset.done $0x0  }
0x98: {  	[sflag:s13] =	ssyncadd.s32 $0xFFFFC000  }
0x99: {  	[tilespmem:s17], [sflag:$0x2] =	stream.indirect.gather [hbm4b:s1+s15], $0x80, s20, s15, $0xb8;
	[tilespmem:$0x1F800] =	vst v63  }
0x9a: {  	_ =	swait.ge [sflag:s18], $0x4000  }
0x9b: {  	[sflag:s18] =	ssyncset.done $0x0  }
0x9c: {  	[sflag:s18] =	ssyncadd.s32 $0xFFFFC000  }
0x9d: {  	[spmem:s3] =	stream.indirect.scatter.add.f32 [tilespmem:s16], [sflag:$0x3], $0x80, s23, s15, $0xb8;
	[tilespmem:$0x1F800] =	vst v63  }
0x9e: {  	_ =	swait.ge [sflag:s13], $0x4000  }
0x9f: {  	[sflag:s13] =	ssyncset.done $0x0  }
0xa0: {  	[sflag:s13] =	ssyncadd.s32 $0xFFFFC000  }
0xa1: {  	_ =	swait.ge [sflag:s19], $0x4000  }
0xa2: {  	[sflag:s19] =	ssyncset.done $0x0  }
0xa3: {  	[sflag:s19] =	ssyncadd.s32 $0xFFFFC000  }
0xa4: {  	[spmem:s3] =	stream.indirect.scatter.add.f32 [tilespmem:s17], [sflag:$0x3], $0x80, s24, s15, $0xb8;
	[tilespmem:$0x1F800] =	vst v63  }
0xa5: {  	_ =	swait.ge [sflag:s13], $0x4000  }
0xa6: {  	s25 =	sadd.s32 $0x1, s25;
	[sflag:s13] =	ssyncset.done $0x0  }
0xa7: {  	p0 =	sne.s32 s25, s11;
	[sflag:s13] =	ssyncadd.s32 $0xFFFFC000  }
.Ltmp2:
0xa8: {  	[bflag:$0x0] =	sbarrier.arrive $0xFFFF;
	(pc) =	sbr.rel @p0 .LBB2_1-.Ltmp2, $4  }
0xa9: {  	[hbm:s10], [sflag:s6] =	dma.local [spmem:s12], $0x2780  }
0xaa: {  	_ =	swait.ge [sflag:s13], $0x2780  }
0xab: {  	[sflag:s13] =	ssyncset.done $0x0  }
0xac: {  	[sflag:s13] =	ssyncadd.s32 $0xFFFFD880  }
0xad: {  	_ =	sfence.sel $0x180000  }
0xae: {  	[bflag:$0x0] =	sbarrier.arrive $0xFFFF  }
0xaf: {  	p0 =	sne.s32 s0, $0x0;
	_ =	strace $0x9000004A  }
0xb0: {  	s0 =	sadd.s32 @!p0 $0x100000, s2;
	[bflag:$0x2] =	sbarrier.arrive $0xFFFF  }
0xb1: {  	[sflag:s0] =	ssyncadd.tile.s32 @!p0 $0x1;
	_ =	shalt  }
.Lfunc_end2:
_tile_overlayer_lowered:
.L_overlay_start_2:
0xb2: {  	(tag) =	ssettag $0x2  }
0xb3: {  	s0 =	rddreg [dreg:$0x0];
	s2 =	stileid.u32  }
0xb4: {  	s1 =	rddreg [dreg:$0x1];
	p0 =	sne.s32 s2, $0x0  }
0xb5: {  	s3 =	rddreg [dreg:$0x2];
	[bflag:$0x3] =	sbarrier.arrive $0xFFFF;
	s2 =	simm.s32 @!p0 $0x1C03  }
0xb6: {  	[timem:s3], [sflag:s2] =	dma.local @!p0 [hbm:s0], s1  }
0xb7: {  	s0 =	simm.s32 @!p0 $0x3  }
0xb8: {  	_ =	swait.ge @!p0 [sflag:s0], s1  }
0xb9: {  	s1 =	ssub.s32 @!p0 $0x0, s1;
	[sflag:s0] =	ssyncset.done @!p0 $0x0  }
0xba: {  	[sflag:s0] =	ssyncadd.s32 @!p0 s1  }
0xbb: {  	[bflag:$0x3] =	sbarrier.arrive $0xFFFF  }
0xbc: {  	_ =	shalt  }

// kernel: kernel.14.cloned.1.call-start
scs
__scs_entry_jumppad:
0x0: {  	(pc) =	sbr.rel $0x88, $3  }
0x1: {  	(tag) =	ssettag $0x0;
	lr =	simm.s32 $0x1  }
0x2: {  	[smem:$0x3F9B] =	sst lr;
	_ =	strace $0xD0000000  }
0x3: {  	_ = 	snop  }
0x4: {  	_ = 	snop  }
0x5: {  	_ = 	snop  }
0x6: {  	_ = 	snop  }
0x7: {  	_ = 	snop  }
__scs_overlays_trampoline_lowered:
0x8: {  	[smem:$0x3FAA] =	sst s0  }
0x9: {  	[smem:$0x3FAB] =	sst s1  }
0xa: {  	[smem:$0x3FAC] =	sst s2  }
0xb: {  	[smem:$0x3FAD] =	sst s3  }
0xc: {  	[smem:$0x3FAE] =	sst s4  }
0xd: {  	[smem:$0x3FAF] =	sst s5  }
0xe: {  	[smem:$0x3FB0] =	sst s6  }
0xf: {  	[smem:$0x3FB1] =	sst s7  }
0x10: {  	[smem:$0x3FB2] =	sst s8  }
0x11: {  	[smem:$0x3FB3] =	sst s9;
	s0 =	simm.s32 @!p0 $0x0  }
0x12: {  	s1 =	sld [smem:$0x3F99];
	s0 =	simm.s32 @p0 $0x1  }
0x13: {  	[smem:$0x3FB4] =	sst s0;
	s0 =	simm.s32 @!p1 $0x0  }
0x14: {  	s2 =	sld [smem:$0x3F98];
	s0 =	simm.s32 @p1 $0x1  }
0x15: {  	[smem:$0x3FB5] =	sst s0;
	s0 =	simm.s32 @!p2 $0x0  }
0x16: {  	s3 =	sld [smem:$0x3FDB];
	s0 =	simm.s32 @p2 $0x1  }
0x17: {  	s4 =	simm.s32 $0x1BF5;
	[smem:$0x3FB7] =	sst s0  }
0x18: {  	s0 =	sld [smem:$0x3F9A];
	_ =	swait.ge [sflag:s4], $0x0  }
0x19: {  	s7 =	sld [smem:$0x3F9B]  }
0x1a: {  	s8 =	sadd.s32 $0xFFFFE003, lr  }
0x1b: {  	s9 =	sadd.s32 $0xFFFFFEF7, lr;
	s5 =	simm.s32 $0xFFFFFFFF;
	p2 =	slt.u32 s8, $0xFFFFF086  }
0x1c: {  	p1 =	slt.u32 s9, $0xF7A;
	s5 =	simm.s32 @!p2 $0x0  }
0x1d: {  	s5 =	simm.s32 @p1 $0x1;
	p0 =	seq.s32 s7, s2  }
0x1e: {  	s7 =	smul.u32 @!p0 $0xF7A, s2;
	p2 =	seq.s32 @!p0 s5, $0x0  }
0x1f: {  	s9 =	smul.u32 $0xF7A, s1;
	s8 =	simm.s32 @!p0 $0x1BF5;
	p2 =	por !p2, p0  }
0x20: {  	[sflag:s8] =	ssyncset.s32 @!p0 $0xFFFFF086;
	s6 =	sadd.s32 @!p0 s3, s7;
	s7 =	simm.s32 @!p0 $0x108  }
0x21: {  	s3 =	sadd.s32 s3, s9;
	s6 =	sadd.s32 @!p0 $0x88, s6;
	s7 =	simm.s32 @p2 $0x1082  }
0x22: {  	[simem:s7], [sflag:s8] =	dma.local @!p0 [hbm:s6], $0xF7A  }
0x23: {  	s9 =	sor.u32 $0xD0000000, s2;
	s6 =	simm.s32 $0x108;
	_ =	swait.ge @!p0 [sflag:s8], $0x0  }
0x24: {  	s3 =	sadd.s32 $0x88, s3;
	s6 =	simm.s32 @!p1 $0x1082;
	[sflag:s4] =	ssyncset.s32 $0xFFFFF086  }
0x25: {  	[simem:s6], [sflag:s4] =	dma.local [hbm:s3], $0xF7A  }
0x26: {  	[smem:$0x3F9B] =	sst s1;
	(tag) =	ssettag s2;
	_ =	strace s9  }
0x27: {  	s1 =	sld [smem:$0x3FAB]  }
0x28: {  	s2 =	sld [smem:$0x3FAC]  }
0x29: {  	s4 =	sld [smem:$0x3FAE]  }
0x2a: {  	p0 =	seq.s32 s5, $0x0;
	s5 =	sld [smem:$0x3FAF]  }
0x2b: {  	s6 =	sld [smem:$0x3FB0]  }
0x2c: {  	s7 =	sld [smem:$0x3FB1]  }
0x2d: {  	s3 =	simm.s32 $0x108;
	s8 =	sld [smem:$0x3FB2]  }
0x2e: {  	s3 =	simm.s32 @!p0 $0x1082;
	s9 =	sld [smem:$0x3FB3]  }
0x2f: {  	lr =	sadd.s32 s0, s3;
	s0 =	sld [smem:$0x3FAA]  }
0x30: {  	s3 =	sld [smem:$0x3FAD]  }
0x31: {  	[smem:$0x3FB6] =	sst s10  }
0x32: {  	s10 =	sld [smem:$0x3FB4];
	_ =	sdelay $0x3  }
0x33: {  	p0 =	seq.s32 s10, $0x1;
	s10 =	sld [smem:$0x3FB6];
	_ =	sdelay $0x3  }
0x34: {  	[smem:$0x3FB6] =	sst s10  }
0x35: {  	s10 =	sld [smem:$0x3FB5];
	_ =	sdelay $0x3  }
0x36: {  	p1 =	seq.s32 s10, $0x1;
	s10 =	sld [smem:$0x3FB6];
	_ =	sdelay $0x3  }
0x37: {  	[smem:$0x3FB6] =	sst s10  }
0x38: {  	s10 =	sld [smem:$0x3FB7]  }
0x39: {  	_ = 	snop;
	(pc) =	sbr.ind lr, $3  }
0x3a: {  	_ = 	snop  }
0x3b: {  	_ = 	snop  }
0x3c: {  	p2 =	seq.s32 s10, $0x1;
	s10 =	sld [smem:$0x3FB6]  }
0x3d: {  	_ =	shalt  }
0x3e: {  	_ =	shalt  }
0x3f: {  	_ =	shalt  }
0x40: {  	_ =	shalt  }
0x41: {  	_ =	shalt  }
0x42: {  	_ =	shalt  }
0x43: {  	_ =	shalt  }
0x44: {  	_ =	shalt  }
0x45: {  	_ =	shalt  }
0x46: {  	_ =	shalt  }
0x47: {  	_ =	shalt  }
0x48: {  	_ =	shalt  }
0x49: {  	_ =	shalt  }
0x4a: {  	_ =	shalt  }
0x4b: {  	_ =	shalt  }
0x4c: {  	_ =	shalt  }
0x4d: {  	_ =	shalt  }
0x4e: {  	_ =	shalt  }
0x4f: {  	_ =	shalt  }
0x50: {  	_ =	shalt  }
0x51: {  	_ =	shalt  }
0x52: {  	_ =	shalt  }
0x53: {  	_ =	shalt  }
0x54: {  	_ =	shalt  }
0x55: {  	_ =	shalt  }
0x56: {  	_ =	shalt  }
0x57: {  	_ =	shalt  }
0x58: {  	_ =	shalt  }
0x59: {  	_ =	shalt  }
0x5a: {  	_ =	shalt  }
0x5b: {  	_ =	shalt  }
0x5c: {  	_ =	shalt  }
0x5d: {  	_ =	shalt  }
0x5e: {  	_ =	shalt  }
0x5f: {  	_ =	shalt  }
0x60: {  	_ =	shalt  }
0x61: {  	_ =	shalt  }
0x62: {  	_ =	shalt  }
0x63: {  	_ =	shalt  }
0x64: {  	_ =	shalt  }
0x65: {  	_ =	shalt  }
0x66: {  	_ =	shalt  }
0x67: {  	_ =	shalt  }
0x68: {  	_ =	shalt  }
0x69: {  	_ =	shalt  }
0x6a: {  	_ =	shalt  }
0x6b: {  	_ =	shalt  }
0x6c: {  	_ =	shalt  }
0x6d: {  	_ =	shalt  }
0x6e: {  	_ =	shalt  }
0x6f: {  	_ =	shalt  }
0x70: {  	_ =	shalt  }
0x71: {  	_ =	shalt  }
0x72: {  	_ =	shalt  }
0x73: {  	_ =	shalt  }
0x74: {  	_ =	shalt  }
0x75: {  	_ =	shalt  }
0x76: {  	_ =	shalt  }
0x77: {  	_ =	shalt  }
0x78: {  	_ =	shalt  }
0x79: {  	_ =	shalt  }
0x7a: {  	_ =	shalt  }
0x7b: {  	_ =	shalt  }
0x7c: {  	_ =	shalt  }
0x7d: {  	_ =	shalt  }
0x7e: {  	_ =	shalt  }
0x7f: {  	_ =	shalt  }
0x80: {  	_ =	shalt  }
0x81: {  	_ =	shalt  }
0x82: {  	_ =	shalt  }
0x83: {  	_ =	shalt  }
0x84: {  	_ =	shalt  }
0x85: {  	_ =	shalt  }
0x86: {  	_ =	shalt  }
0x87: {  	_ =	shalt  }
.Lfunc_end0:
.L_simem_size_0:
called_computation.2_lowered:
.L_overlay_start_0:
0x88: {  	s2 =	sld [smem:$0x3FD9]  }
0x89: {  	s3 =	sld [smem:$0x3FFE];
	_ =	sdelay $0x1  }
0x8a: {  	s1 =	srdreg.scid  }
0x8b: {  	s0 =	sand.u32 $0x1, s1  }
0x8c: {  	s17 =	sshll.u32 s0, $0xA;
	s2 =	sadd.s32 s3, s2  }
0x8d: {  	s2 =	sadd.s32 s2, s17  }
0x8e: {  	[smem:$0x3FC2] =	sst s2  }
0x8f: {  	_ = 	snop  }
0x90: {  	s2 =	sld [smem:$0x3FD0];
	(tm) =	ssettm $0x1  }
0x91: {  	s18 =	sld [smem:$0x3FFB];
	_ =	sdelay $0x3  }
0x92: {  	_ =	strace s18  }
0x93: {  	s3 =	sld [smem:$0x3FFC];
	_ =	sdelay $0x3  }
0x94: {  	_ =	strace s3  }
0x95: {  	s3 =	sld [smem:$0x3FFD];
	_ =	sdelay $0x3  }
0x96: {  	_ =	strace s3  }
0x97: {  	_ =	strace $0x8FFFFFFF  }
0x98: {  	s19 =	sld [smem:$0x3FDB];
	_ =	sdelay $0x1  }
0x99: {  	s4 =	simm.s32 $_scs_section_size  }
0x9a: {  	s5 =	simm.s32 $_size__tile_overlayer_lowered;
	s6 =	simm.s32 $_tile_overlayer_lowered  }
0x9b: {  	s22 =	simm.s32 $0x1BFF;
	s21 =	sshll.u32 s6, $0x1;
	s3 =	sadd.s32 s4, s19  }
0x9c: {  	s7 =	simm.s32 $0x0;
	s20 =	sshll.u32 s5, $0x1;
	s5 =	sadd.s32 s21, s3  }
0x9d: {  	[timem:s7], [sflag:s22] =	dma.local [hbm:s5], s20  }
0x9e: {  	_ =	swait.ge [sflag:s22], s20  }
0x9f: {  	s4 =	ssub.s32 $0x0, s20;
	[sflag:s22] =	ssyncset.done $0x0  }
0xa0: {  	[sflag:s22] =	ssyncadd.s32 s4;
	_ =	sdelay $0x1  }
0xa1: {  	s23 =	simm.s32 $0x1B8B  }
0xa2: {  	_ =	swait.ge [sflag:s23], $0x1  }
0xa3: {  	[sflag:s23] =	ssyncset.done $0x0  }
0xa4: {  	s25 =	simm.s32 $0x1B8E;
	s24 =	sld [smem:$0x3FFE];
	[sflag:s23] =	ssyncadd.s32 $0xFFFFFFFF  }
0xa5: {  	s26 =	simm.s32 $execute0_lowered;
	[smem:$0x3FD2] =	sst s25  }
0xa6: {  	s5 =	sshll.u32 s26, $0x1;
	_ =	strace $0x8000004C;
	[dreg:$0x1] =	wrdreg $0xFFFFFFFF  }
0xa7: {  	s28 =	simm.s32 $_size_execute0_lowered;
	s3 =	sadd.s32 s3, s5;
	[dreg:$0x0] =	wrdreg $0x0  }
0xa8: {  	s5 =	sshll.u32 s28, $0x1;
	[dreg:$0x2] =	wrdreg s3  }
0xa9: {  	[dreg:$0x3] =	wrdreg s5  }
0xaa: {  	[dreg:$0x4] =	wrdreg $0xC0  }
0xab: {  	_ =	task [dreg:s7], $0x5FFFF  }
0xac: {  	[dreg:$0x1] =	wrdreg $0xFFFFFFFF  }
0xad: {  	[dreg:$0x0] =	wrdreg $0x60  }
0xae: {  	[dreg:$0x2] =	wrdreg s2  }
0xaf: {  	[dreg:$0x3] =	wrdreg s24  }
0xb0: {  	[dreg:$0x4] =	wrdreg $0xBC000  }
0xb1: {  	[dreg:$0x5] =	wrdreg $0x9  }
0xb2: {  	_ =	task.clear_ibuf [dreg:s7], $0x6FFFF;
	_ =	strace $0x9000004C  }
0xb3: {  	s29 =	simm.s32 $0x9;
	_ =	strace $0x8000004E  }
0xb4: {  	_ =	swait.ge [sflag:s29], $0x1  }
0xb5: {  	[sflag:s29] =	ssyncadd.s32 $0xFFFFFFFF  }
0xb6: {  	_ =	strace $0x9000004E  }
0xb7: {  	_ =	sfence  }
0xb8: {  	s30 =	sld [smem:$0x0];
	_ =	sdelay $0x2  }
0xb9: {  	s31 =	sshll.u32 s1, $0xD;
	s1 =	sshrl.u32 s1, $0x2  }
0xba: {  	s3 =	sand.u32 $0x4000, s31;
	s1 =	sadd.s32 s1, s30  }
0xbb: {  	s0 =	sor.u32 s3, s0;
	s1 =	sshll.u32 s1, $0x11  }
0xbc: {  	s0 =	sor.u32 s1, s0  }
0xbd: {  	s0 =	sadd.s32 $0x8F2B, s0  }
0xbe: {  	[sflag:s0] =	ssyncadd.remote.s32 $0x1  }
0xbf: {  	_ =	sfence.sel $0xFFFF  }
0xc0: {  	[dreg:$0x0] =	wrdreg $0xFFFFFFFF;
	(pc) =	sbr.abs _section_cstart, $3  }
0xc1: {  	[dreg:$0x1] =	wrdreg $0xFFFFFFFF  }
0xc2: {  	_ =	task.clear_ibuf [dreg:s7], $0x2FFFF;
	_ =	strace $0x9FFFFFFF  }
0xc3: {  	(tm) =	ssettm $0x7FFFFFFF  }
tec
execute0_lowered:
.L_overlay_start_1:
0x0: {  	(tag) =	ssettag $0x1  }
0x1: {  	s1 =	rddreg [dreg:$0x0]  }
0x2: {  	s2 =	srdreg.scid;
	s6 =	rddreg [dreg:$0x1]  }
0x3: {  	s0 =	stileid.u32;
	s3 =	rddreg [dreg:$0x2];
	s4 =	simm.s32 $0x0  }
0x4: {  	s16 =	simm.s32 $0x3C00;
	s17 =	simm.s32 $0x7C00;
	s18 =	simm.s32 $0x1  }
0x5: {  	s19 =	simm.s32 $0x2;
	s20 =	simm.s32 $0x1380;
	s21 =	simm.s32 $0x2700  }
0x6: {  	s22 =	simm.s32 $0x2780;
	s23 =	simm.s32 $0x3B00;
	s24 =	simm.s32 $0x3B80  }
0x7: {  	s25 =	simm.s32 $0x0;
	s7 =	sand.u32 $0x1, s2;
	s2 =	rddreg [dreg:$0x3]  }
0x8: {  	s26 =	sshll.u32 s0, $0x1;
	[smem:$0x7FF] =	sst s4;
	s11 =	smul.u32 $0x13C00, s0  }
0x9: {  	s12 =	sadd.s32 $0xCA00, s6;
	s5 =	sadd.s32 $0x16A00, s6;
	s28 =	smul.u32 $0x4F000, s0  }
0xa: {  	s30 =	sshll.u32 s0, $0x6;
	s8 =	sor.u32 s7, s26;
	s10 =	smul.u32 $0x13C000, s7  }
0xb: {  	_ =	strace $0x8000004D;
	s7 =	ssub.s32 $0x2, s7;
	s9 =	smul.u32 $0x500, s8  }
0xc: {  	s14 =	sshrl.u32 s7, $0x1;
	s8 =	smul.u32 $0x2800, s8;
	s29 =	sshrl.u32 s28, $0x2  }
0xd: {  	s10 =	sadd.s32 s11, s10;
	s14 =	ssub.s32 s7, s14;
	s15 =	sadd.s32 s29, s3  }
0xe: {  	s13 =	sadd.s32 s9, s6;
	s10 =	sshrl.u32 s10, $0x3;
	s8 =	sshrl.u32 s8, $0x3  }
0xf: {  	s11 =	smax.u32 s14, $0x1;
	s14 =	simm.s32 $0x1400;
	s10 =	sadd.s32 s10, s6  }
0x10: {  	s6 =	sor.u32 $0x1C03, s30;
	s7 =	sadd.s32 $0x2A00, s13;
	s31 =	sadd.s32 s12, s8  }
0x11: {  	s8 =	sadd.s32 s12, s9;
	s12 =	sshrl.u32 s15, $0x3;
	s13 =	simm.s32 $0x3  }
0x12: {  	s15 =	simm.s32 $0x80;
	s9 =	sadd.s32 $0x280, s31;
	s10 =	sadd.s32 $0x68200, s10  }
.LBB2_1:
0x13: {  	[spmem:s12], [sflag:s6] =	dma.local [hbm:s5], $0x2780  }
0x14: {  	_ =	swait.ge [sflag:s13], $0x2780  }
0x15: {  	[sflag:s13] =	ssyncset.done $0x0  }
0x16: {  	[sflag:s13] =	ssyncadd.s32 $0xFFFFD880  }
0x17: {  	[tilespmem:s14], [sflag:$0x3] =	stream.linear.gather [hbm4b:s7+s4], $0x2800, $0x38;
	[tilespmem:$0x1F800] =	vst v63  }
0x18: {  	_ =	swait.ge [sflag:s13], $0x2800  }
0x19: {  	[sflag:s13] =	ssyncset.done $0x0  }
0x1a: {  	[sflag:s13] =	ssyncadd.s32 $0xFFFFD800  }
0x1b: {  	[bflag:$0x0] =	sbarrier.arrive $0xFFFF  }
0x1c: {  	[tilespmem:s4], [sflag:$0x3] =	stream.linear.gather [hbm4b:s8+s4], $0x1400, $0x38;
	[tilespmem:$0x1F800] =	vst v63  }
0x1d: {  	_ =	swait.ge [sflag:s13], $0x1400  }
0x1e: {  	[sflag:s13] =	ssyncset.done $0x0  }
0x1f: {  	[sflag:s13] =	ssyncadd.s32 $0xFFFFEC00  }
0x20: {  	[tilespmem:s16], [sflag:$0x1] =	stream.indirect.gather [hbm4b:s1+s15], $0x80, s4, s15, $0xb8;
	[tilespmem:$0x1F800] =	vst v63  }
0x21: {  	s26 =	simm.s32 $0x80  }
0x22: {  	[tilespmem:s17], [sflag:$0x2] =	stream.indirect.gather [hbm4b:s1+s15], $0x80, s26, s15, $0xb8;
	[tilespmem:$0x1F800] =	vst v63  }
0x23: {  	_ =	swait.ge [sflag:s18], $0x4000  }
0x24: {  	[sflag:s18] =	ssyncset.done $0x0  }
0x25: {  	s29 =	simm.s32 $0x1400;
	[sflag:s18] =	ssyncadd.s32 $0xFFFFC000  }
0x26: {  	[spmem:s3] =	stream.indirect.scatter.add.f32 [tilespmem:s16], [sflag:$0x3], $0x80, s29, s15, $0xb8;
	[tilespmem:$0x1F800] =	vst v63  }
0x27: {  	_ =	swait.ge [sflag:s13], $0x4000  }
0x28: {  	[sflag:s13] =	ssyncset.done $0x0  }
0x29: {  	s30 =	simm.s32 $0x100;
	[sflag:s13] =	ssyncadd.s32 $0xFFFFC000  }
0x2a: {  	[tilespmem:s16], [sflag:$0x1] =	stream.indirect.gather [hbm4b:s1+s15], $0x80, s30, s15, $0xb8;
	[tilespmem:$0x1F800] =	vst v63  }
0x2b: {  	_ =	swait.ge [sflag:s19], $0x4000  }
0x2c: {  	[sflag:s19] =	ssyncset.done $0x0  }
0x2d: {  	s31 =	simm.s32 $0x1480;
	[sflag:s19] =	ssyncadd.s32 $0xFFFFC000  }
0x2e: {  	[spmem:s3] =	stream.indirect.scatter.add.f32 [tilespmem:s17], [sflag:$0x3], $0x80, s31, s15, $0xb8;
	[tilespmem:$0x1F800] =	vst v63  }
0x2f: {  	_ =	swait.ge [sflag:s13], $0x4000  }
0x30: {  	s28 =	simm.s32 $0x800;
	s26 =	simm.s32 $0x100;
	[sflag:s13] =	ssyncset.done $0x0  }
.LBB2_2:
0x31: {  	s29 =	sadd.s32 $0x80, s26  }
0x32: {  	[sflag:s13] =	ssyncadd.s32 $0xFFFFC000;
	s30 =	smov.u32 s28;
	s31 =	sadd.s32 $0x400, s28  }
0x33: {  	[tilespmem:s17], [sflag:$0x2] =	stream.indirect.gather [hbm4b:s1+s15], $0x80, s29, s15, $0xb8;
	[tilespmem:$0x1F800] =	vst v63  }
0x34: {  	p0 =	sne.s32 s28, $0x4800;
	_ =	swait.ge [sflag:s18], $0x4000  }
0x35: {  	[sflag:s18] =	ssyncset.done $0x0  }
0x36: {  	s28 =	sadd.s32 $0x1400, s26;
	[sflag:s18] =	ssyncadd.s32 $0xFFFFC000  }
0x37: {  	[spmem:s3] =	stream.indirect.scatter.add.f32 [tilespmem:s16], [sflag:$0x3], $0x80, s28, s15, $0xb8;
	[tilespmem:$0x1F800] =	vst v63  }
0x38: {  	_ =	swait.ge [sflag:s13], $0x4000  }
0x39: {  	[sflag:s13] =	ssyncset.done $0x0  }
0x3a: {  	s28 =	sadd.s32 $0x100, s26;
	[sflag:s13] =	ssyncadd.s32 $0xFFFFC000  }
0x3b: {  	[tilespmem:s16], [sflag:$0x1] =	stream.indirect.gather [hbm4b:s1+s15], $0x80, s28, s15, $0xb8;
	[tilespmem:$0x1F800] =	vst v63  }
0x3c: {  	_ =	swait.ge [sflag:s19], $0x4000  }
.Ltmp0:
0x3d: {  	[sflag:s19] =	ssyncset.done $0x0;
	(pc) =	sbr.rel @p0 .LBB2_2-.Ltmp0, $4  }
0x3e: {  	s26 =	sadd.s32 $0x1480, s26;
	[sflag:s19] =	ssyncadd.s32 $0xFFFFC000  }
0x3f: {  	[spmem:s3] =	stream.indirect.scatter.add.f32 [tilespmem:s17], [sflag:$0x3], $0x80, s26, s15, $0xb8;
	[tilespmem:$0x1F800] =	vst v63  }
0x40: {  	_ =	swait.ge [sflag:s13], $0x4000  }
0x41: {  	s28 =	smov.u32 s31;
	s26 =	sshra.s32 s30, $0x2;
	[sflag:s13] =	ssyncset.done $0x0  }
0x42: {  	s28 =	sadd.s32 $0x80, s26;
	[sflag:s13] =	ssyncadd.s32 $0xFFFFC000  }
0x43: {  	[tilespmem:s17], [sflag:$0x2] =	stream.indirect.gather [hbm4b:s1+s15], $0x80, s28, s15, $0xb8;
	[tilespmem:$0x1F800] =	vst v63  }
0x44: {  	_ =	swait.ge [sflag:s18], $0x4000  }
0x45: {  	[sflag:s18] =	ssyncset.done $0x0  }
0x46: {  	s28 =	sadd.s32 $0x1400, s26;
	[sflag:s18] =	ssyncadd.s32 $0xFFFFC000  }
0x47: {  	[spmem:s3] =	stream.indirect.scatter.add.f32 [tilespmem:s16], [sflag:$0x3], $0x80, s28, s15, $0xb8;
	[tilespmem:$0x1F800] =	vst v63  }
0x48: {  	_ =	swait.ge [sflag:s13], $0x4000  }
0x49: {  	[sflag:s13] =	ssyncset.done $0x0  }
0x4a: {  	s28 =	sadd.s32 $0x100, s26;
	[sflag:s13] =	ssyncadd.s32 $0xFFFFC000  }
0x4b: {  	[tilespmem:s16], [sflag:$0x1] =	stream.indirect.gather [hbm4b:s1+s15], $0x80, s28, s15, $0xb8;
	[tilespmem:$0x1F800] =	vst v63  }
0x4c: {  	_ =	swait.ge [sflag:s19], $0x4000  }
0x4d: {  	[sflag:s19] =	ssyncset.done $0x0  }
0x4e: {  	s30 =	sadd.s32 $0x1480, s26;
	[sflag:s19] =	ssyncadd.s32 $0xFFFFC000  }
0x4f: {  	[spmem:s3] =	stream.indirect.scatter.add.f32 [tilespmem:s17], [sflag:$0x3], $0x80, s30, s15, $0xb8;
	[tilespmem:$0x1F800] =	vst v63  }
0x50: {  	_ =	swait.ge [sflag:s13], $0x4000  }
0x51: {  	[sflag:s13] =	ssyncset.done $0x0  }
0x52: {  	[sflag:s13] =	ssyncadd.s32 $0xFFFFC000  }
0x53: {  	[tilespmem:s17], [sflag:$0x2] =	stream.indirect.gather [hbm4b:s1+s15], $0x80, s20, s15, $0xb8;
	[tilespmem:$0x1F800] =	vst v63  }
0x54: {  	_ =	swait.ge [sflag:s18], $0x4000  }
0x55: {  	[sflag:s18] =	ssyncset.done $0x0  }
0x56: {  	[sflag:s18] =	ssyncadd.s32 $0xFFFFC000  }
0x57: {  	[spmem:s3] =	stream.indirect.scatter.add.f32 [tilespmem:s16], [sflag:$0x3], $0x80, s21, s15, $0xb8;
	[tilespmem:$0x1F800] =	vst v63  }
0x58: {  	_ =	swait.ge [sflag:s13], $0x4000  }
0x59: {  	[sflag:s13] =	ssyncset.done $0x0  }
0x5a: {  	[sflag:s13] =	ssyncadd.s32 $0xFFFFC000  }
0x5b: {  	_ =	swait.ge [sflag:s19], $0x4000  }
0x5c: {  	[sflag:s19] =	ssyncset.done $0x0  }
0x5d: {  	[sflag:s19] =	ssyncadd.s32 $0xFFFFC000  }
0x5e: {  	[spmem:s3] =	stream.indirect.scatter.add.f32 [tilespmem:s17], [sflag:$0x3], $0x80, s22, s15, $0xb8;
	[tilespmem:$0x1F800] =	vst v63  }
0x5f: {  	_ =	swait.ge [sflag:s13], $0x4000  }
0x60: {  	[sflag:s13] =	ssyncset.done $0x0  }
0x61: {  	[sflag:s13] =	ssyncadd.s32 $0xFFFFC000  }
0x62: {  	[tilespmem:s4], [sflag:$0x3] =	stream.linear.gather [hbm4b:s9+s4], $0x1400, $0x38;
	[tilespmem:$0x1F800] =	vst v63  }
0x63: {  	_ =	swait.ge [sflag:s13], $0x1400  }
0x64: {  	[sflag:s13] =	ssyncset.done $0x0  }
0x65: {  	[sflag:s13] =	ssyncadd.s32 $0xFFFFEC00  }
0x66: {  	[tilespmem:s16], [sflag:$0x1] =	stream.indirect.gather [hbm4b:s1+s15], $0x80, s4, s15, $0xb8;
	[tilespmem:$0x1F800] =	vst v63  }
0x67: {  	s31 =	simm.s32 $0x80  }
0x68: {  	[tilespmem:s17], [sflag:$0x2] =	stream.indirect.gather [hbm4b:s1+s15], $0x80, s31, s15, $0xb8;
	[tilespmem:$0x1F800] =	vst v63  }
0x69: {  	_ =	swait.ge [sflag:s18], $0x4000  }
0x6a: {  	[sflag:s18] =	ssyncset.done $0x0  }
0x6b: {  	s29 =	simm.s32 $0x2800;
	[sflag:s18] =	ssyncadd.s32 $0xFFFFC000  }
0x6c: {  	[spmem:s3] =	stream.indirect.scatter.add.f32 [tilespmem:s16], [sflag:$0x3], $0x80, s29, s15, $0xb8;
	[tilespmem:$0x1F800] =	vst v63  }
0x6d: {  	_ =	swait.ge [sflag:s13], $0x4000  }
0x6e: {  	[sflag:s13] =	ssyncset.done $0x0  }
0x6f: {  	s30 =	simm.s32 $0x100;
	[sflag:s13] =	ssyncadd.s32 $0xFFFFC000  }
0x70: {  	[tilespmem:s16], [sflag:$0x1] =	stream.indirect.gather [hbm4b:s1+s15], $0x80, s30, s15, $0xb8;
	[tilespmem:$0x1F800] =	vst v63  }
0x71: {  	_ =	swait.ge [sflag:s19], $0x4000  }
0x72: {  	[sflag:s19] =	ssyncset.done $0x0  }
0x73: {  	s31 =	simm.s32 $0x2880;
	[sflag:s19] =	ssyncadd.s32 $0xFFFFC000  }
0x74: {  	[spmem:s3] =	stream.indirect.scatter.add.f32 [tilespmem:s17], [sflag:$0x3], $0x80, s31, s15, $0xb8;
	[tilespmem:$0x1F800] =	vst v63  }
0x75: {  	_ =	swait.ge [sflag:s13], $0x4000  }
0x76: {  	s26 =	simm.s32 $0xFFFFEE00;
	s28 =	simm.s32 $0xFFFFBC00;
	[sflag:s13] =	ssyncset.done $0x0  }
.LBB2_4:
0x77: {  	s29 =	sadd.s32 $0x1380, s26  }
0x78: {  	[sflag:s13] =	ssyncadd.s32 $0xFFFFC000;
	s30 =	smov.u32 s28;
	s31 =	sadd.s32 $0x400, s28  }
0x79: {  	[tilespmem:s17], [sflag:$0x2] =	stream.indirect.gather [hbm4b:s1+s15], $0x80, s29, s15, $0xb8;
	[tilespmem:$0x1F800] =	vst v63  }
0x7a: {  	p0 =	sne.s32 s28, $0xFFFFFC00;
	_ =	swait.ge [sflag:s18], $0x4000  }
0x7b: {  	[sflag:s18] =	ssyncset.done $0x0  }
0x7c: {  	s28 =	sadd.s32 $0x3B00, s26;
	[sflag:s18] =	ssyncadd.s32 $0xFFFFC000  }
0x7d: {  	[spmem:s3] =	stream.indirect.scatter.add.f32 [tilespmem:s16], [sflag:$0x3], $0x80, s28, s15, $0xb8;
	[tilespmem:$0x1F800] =	vst v63  }
0x7e: {  	_ =	swait.ge [sflag:s13], $0x4000  }
0x7f: {  	[sflag:s13] =	ssyncset.done $0x0  }
0x80: {  	s28 =	sadd.s32 $0x1400, s26;
	[sflag:s13] =	ssyncadd.s32 $0xFFFFC000  }
0x81: {  	[tilespmem:s16], [sflag:$0x1] =	stream.indirect.gather [hbm4b:s1+s15], $0x80, s28, s15, $0xb8;
	[tilespmem:$0x1F800] =	vst v63  }
0x82: {  	_ =	swait.ge [sflag:s19], $0x4000  }
.Ltmp1:
0x83: {  	[sflag:s19] =	ssyncset.done $0x0;
	(pc) =	sbr.rel @p0 .LBB2_4-.Ltmp1, $4  }
0x84: {  	s26 =	sadd.s32 $0x3B80, s26;
	[sflag:s19] =	ssyncadd.s32 $0xFFFFC000  }
0x85: {  	[spmem:s3] =	stream.indirect.scatter.add.f32 [tilespmem:s17], [sflag:$0x3], $0x80, s26, s15, $0xb8;
	[tilespmem:$0x1F800] =	vst v63  }
0x86: {  	_ =	swait.ge [sflag:s13], $0x4000  }
0x87: {  	s28 =	smov.u32 s31;
	s26 =	sshra.s32 s30, $0x2;
	[sflag:s13] =	ssyncset.done $0x0  }
0x88: {  	s28 =	sadd.s32 $0x1380, s26;
	[sflag:s13] =	ssyncadd.s32 $0xFFFFC000  }
0x89: {  	[tilespmem:s17], [sflag:$0x2] =	stream.indirect.gather [hbm4b:s1+s15], $0x80, s28, s15, $0xb8;
	[tilespmem:$0x1F800] =	vst v63  }
0x8a: {  	_ =	swait.ge [sflag:s18], $0x4000  }
0x8b: {  	[sflag:s18] =	ssyncset.done $0x0  }
0x8c: {  	s29 =	sadd.s32 $0x3B00, s26;
	[sflag:s18] =	ssyncadd.s32 $0xFFFFC000  }
0x8d: {  	[spmem:s3] =	stream.indirect.scatter.add.f32 [tilespmem:s16], [sflag:$0x3], $0x80, s29, s15, $0xb8;
	[tilespmem:$0x1F800] =	vst v63  }
0x8e: {  	_ =	swait.ge [sflag:s13], $0x4000  }
0x8f: {  	[sflag:s13] =	ssyncset.done $0x0  }
0x90: {  	s30 =	sadd.s32 $0x1400, s26;
	[sflag:s13] =	ssyncadd.s32 $0xFFFFC000  }
0x91: {  	[tilespmem:s16], [sflag:$0x1] =	stream.indirect.gather [hbm4b:s1+s15], $0x80, s30, s15, $0xb8;
	[tilespmem:$0x1F800] =	vst v63  }
0x92: {  	_ =	swait.ge [sflag:s19], $0x4000  }
0x93: {  	[sflag:s19] =	ssyncset.done $0x0  }
0x94: {  	s31 =	sadd.s32 $0x3B80, s26;
	[sflag:s19] =	ssyncadd.s32 $0xFFFFC000  }
0x95: {  	[spmem:s3] =	stream.indirect.scatter.add.f32 [tilespmem:s17], [sflag:$0x3], $0x80, s31, s15, $0xb8;
	[tilespmem:$0x1F800] =	vst v63  }
0x96: {  	_ =	swait.ge [sflag:s13], $0x4000  }
0x97: {  	[sflag:s13] =	ssyncset.done $0x0  }
0x98: {  	[sflag:s13] =	ssyncadd.s32 $0xFFFFC000  }
0x99: {  	[tilespmem:s17], [sflag:$0x2] =	stream.indirect.gather [hbm4b:s1+s15], $0x80, s20, s15, $0xb8;
	[tilespmem:$0x1F800] =	vst v63  }
0x9a: {  	_ =	swait.ge [sflag:s18], $0x4000  }
0x9b: {  	[sflag:s18] =	ssyncset.done $0x0  }
0x9c: {  	[sflag:s18] =	ssyncadd.s32 $0xFFFFC000  }
0x9d: {  	[spmem:s3] =	stream.indirect.scatter.add.f32 [tilespmem:s16], [sflag:$0x3], $0x80, s23, s15, $0xb8;
	[tilespmem:$0x1F800] =	vst v63  }
0x9e: {  	_ =	swait.ge [sflag:s13], $0x4000  }
0x9f: {  	[sflag:s13] =	ssyncset.done $0x0  }
0xa0: {  	[sflag:s13] =	ssyncadd.s32 $0xFFFFC000  }
0xa1: {  	_ =	swait.ge [sflag:s19], $0x4000  }
0xa2: {  	[sflag:s19] =	ssyncset.done $0x0  }
0xa3: {  	[sflag:s19] =	ssyncadd.s32 $0xFFFFC000  }
0xa4: {  	[spmem:s3] =	stream.indirect.scatter.add.f32 [tilespmem:s17], [sflag:$0x3], $0x80, s24, s15, $0xb8;
	[tilespmem:$0x1F800] =	vst v63  }
0xa5: {  	_ =	swait.ge [sflag:s13], $0x4000  }
0xa6: {  	s25 =	sadd.s32 $0x1, s25;
	[sflag:s13] =	ssyncset.done $0x0  }
0xa7: {  	p0 =	sne.s32 s25, s11;
	[sflag:s13] =	ssyncadd.s32 $0xFFFFC000  }
.Ltmp2:
0xa8: {  	[bflag:$0x0] =	sbarrier.arrive $0xFFFF;
	(pc) =	sbr.rel @p0 .LBB2_1-.Ltmp2, $4  }
0xa9: {  	[hbm:s10], [sflag:s6] =	dma.local [spmem:s12], $0x2780  }
0xaa: {  	_ =	swait.ge [sflag:s13], $0x2780  }
0xab: {  	[sflag:s13] =	ssyncset.done $0x0  }
0xac: {  	[sflag:s13] =	ssyncadd.s32 $0xFFFFD880  }
0xad: {  	_ =	sfence.sel $0x180000  }
0xae: {  	[bflag:$0x0] =	sbarrier.arrive $0xFFFF  }
0xaf: {  	p0 =	sne.s32 s0, $0x0;
	_ =	strace $0x9000004D  }
0xb0: {  	s0 =	sadd.s32 @!p0 $0x100000, s2;
	[bflag:$0x2] =	sbarrier.arrive $0xFFFF  }
0xb1: {  	[sflag:s0] =	ssyncadd.tile.s32 @!p0 $0x1;
	_ =	shalt  }
.Lfunc_end2:
_tile_overlayer_lowered:
.L_overlay_start_2:
0xb2: {  	(tag) =	ssettag $0x2  }
0xb3: {  	s0 =	rddreg [dreg:$0x0];
	s2 =	stileid.u32  }
0xb4: {  	s1 =	rddreg [dreg:$0x1];
	p0 =	sne.s32 s2, $0x0  }
0xb5: {  	s3 =	rddreg [dreg:$0x2];
	[bflag:$0x3] =	sbarrier.arrive $0xFFFF;
	s2 =	simm.s32 @!p0 $0x1C03  }
0xb6: {  	[timem:s3], [sflag:s2] =	dma.local @!p0 [hbm:s0], s1  }
0xb7: {  	s0 =	simm.s32 @!p0 $0x3  }
0xb8: {  	_ =	swait.ge @!p0 [sflag:s0], s1  }
0xb9: {  	s1 =	ssub.s32 @!p0 $0x0, s1;
	[sflag:s0] =	ssyncset.done @!p0 $0x0  }
0xba: {  	[sflag:s0] =	ssyncadd.s32 @!p0 s1  }
0xbb: {  	[bflag:$0x3] =	sbarrier.arrive $0xFFFF  }
0xbc: {  	_ =	shalt  }

// kernel: kernel.8.cloned.1.call-start
scs
__scs_entry_jumppad:
0x0: {  	(pc) =	sbr.rel $0x88, $3  }
0x1: {  	(tag) =	ssettag $0x0;
	lr =	simm.s32 $0x1  }
0x2: {  	[smem:$0x3F9B] =	sst lr;
	_ =	strace $0xD0000000  }
0x3: {  	_ = 	snop  }
0x4: {  	_ = 	snop  }
0x5: {  	_ = 	snop  }
0x6: {  	_ = 	snop  }
0x7: {  	_ = 	snop  }
__scs_overlays_trampoline_lowered:
0x8: {  	[smem:$0x3FAA] =	sst s0  }
0x9: {  	[smem:$0x3FAB] =	sst s1  }
0xa: {  	[smem:$0x3FAC] =	sst s2  }
0xb: {  	[smem:$0x3FAD] =	sst s3  }
0xc: {  	[smem:$0x3FAE] =	sst s4  }
0xd: {  	[smem:$0x3FAF] =	sst s5  }
0xe: {  	[smem:$0x3FB0] =	sst s6  }
0xf: {  	[smem:$0x3FB1] =	sst s7  }
0x10: {  	[smem:$0x3FB2] =	sst s8  }
0x11: {  	[smem:$0x3FB3] =	sst s9;
	s0 =	simm.s32 @!p0 $0x0  }
0x12: {  	s1 =	sld [smem:$0x3F99];
	s0 =	simm.s32 @p0 $0x1  }
0x13: {  	[smem:$0x3FB4] =	sst s0;
	s0 =	simm.s32 @!p1 $0x0  }
0x14: {  	s2 =	sld [smem:$0x3F98];
	s0 =	simm.s32 @p1 $0x1  }
0x15: {  	[smem:$0x3FB5] =	sst s0;
	s0 =	simm.s32 @!p2 $0x0  }
0x16: {  	s3 =	sld [smem:$0x3FDB];
	s0 =	simm.s32 @p2 $0x1  }
0x17: {  	s4 =	simm.s32 $0x1BF5;
	[smem:$0x3FB7] =	sst s0  }
0x18: {  	s0 =	sld [smem:$0x3F9A];
	_ =	swait.ge [sflag:s4], $0x0  }
0x19: {  	s7 =	sld [smem:$0x3F9B]  }
0x1a: {  	s8 =	sadd.s32 $0xFFFFE003, lr  }
0x1b: {  	s9 =	sadd.s32 $0xFFFFFEF7, lr;
	s5 =	simm.s32 $0xFFFFFFFF;
	p2 =	slt.u32 s8, $0xFFFFF086  }
0x1c: {  	p1 =	slt.u32 s9, $0xF7A;
	s5 =	simm.s32 @!p2 $0x0  }
0x1d: {  	s5 =	simm.s32 @p1 $0x1;
	p0 =	seq.s32 s7, s2  }
0x1e: {  	s7 =	smul.u32 @!p0 $0xF7A, s2;
	p2 =	seq.s32 @!p0 s5, $0x0  }
0x1f: {  	s9 =	smul.u32 $0xF7A, s1;
	s8 =	simm.s32 @!p0 $0x1BF5;
	p2 =	por !p2, p0  }
0x20: {  	[sflag:s8] =	ssyncset.s32 @!p0 $0xFFFFF086;
	s6 =	sadd.s32 @!p0 s3, s7;
	s7 =	simm.s32 @!p0 $0x108  }
0x21: {  	s3 =	sadd.s32 s3, s9;
	s6 =	sadd.s32 @!p0 $0x88, s6;
	s7 =	simm.s32 @p2 $0x1082  }
0x22: {  	[simem:s7], [sflag:s8] =	dma.local @!p0 [hbm:s6], $0xF7A  }
0x23: {  	s9 =	sor.u32 $0xD0000000, s2;
	s6 =	simm.s32 $0x108;
	_ =	swait.ge @!p0 [sflag:s8], $0x0  }
0x24: {  	s3 =	sadd.s32 $0x88, s3;
	s6 =	simm.s32 @!p1 $0x1082;
	[sflag:s4] =	ssyncset.s32 $0xFFFFF086  }
0x25: {  	[simem:s6], [sflag:s4] =	dma.local [hbm:s3], $0xF7A  }
0x26: {  	[smem:$0x3F9B] =	sst s1;
	(tag) =	ssettag s2;
	_ =	strace s9  }
0x27: {  	s1 =	sld [smem:$0x3FAB]  }
0x28: {  	s2 =	sld [smem:$0x3FAC]  }
0x29: {  	s4 =	sld [smem:$0x3FAE]  }
0x2a: {  	p0 =	seq.s32 s5, $0x0;
	s5 =	sld [smem:$0x3FAF]  }
0x2b: {  	s6 =	sld [smem:$0x3FB0]  }
0x2c: {  	s7 =	sld [smem:$0x3FB1]  }
0x2d: {  	s3 =	simm.s32 $0x108;
	s8 =	sld [smem:$0x3FB2]  }
0x2e: {  	s3 =	simm.s32 @!p0 $0x1082;
	s9 =	sld [smem:$0x3FB3]  }
0x2f: {  	lr =	sadd.s32 s0, s3;
	s0 =	sld [smem:$0x3FAA]  }
0x30: {  	s3 =	sld [smem:$0x3FAD]  }
0x31: {  	[smem:$0x3FB6] =	sst s10  }
0x32: {  	s10 =	sld [smem:$0x3FB4];
	_ =	sdelay $0x3  }
0x33: {  	p0 =	seq.s32 s10, $0x1;
	s10 =	sld [smem:$0x3FB6];
	_ =	sdelay $0x3  }
0x34: {  	[smem:$0x3FB6] =	sst s10  }
0x35: {  	s10 =	sld [smem:$0x3FB5];
	_ =	sdelay $0x3  }
0x36: {  	p1 =	seq.s32 s10, $0x1;
	s10 =	sld [smem:$0x3FB6];
	_ =	sdelay $0x3  }
0x37: {  	[smem:$0x3FB6] =	sst s10  }
0x38: {  	s10 =	sld [smem:$0x3FB7]  }
0x39: {  	_ = 	snop;
	(pc) =	sbr.ind lr, $3  }
0x3a: {  	_ = 	snop  }
0x3b: {  	_ = 	snop  }
0x3c: {  	p2 =	seq.s32 s10, $0x1;
	s10 =	sld [smem:$0x3FB6]  }
0x3d: {  	_ =	shalt  }
0x3e: {  	_ =	shalt  }
0x3f: {  	_ =	shalt  }
0x40: {  	_ =	shalt  }
0x41: {  	_ =	shalt  }
0x42: {  	_ =	shalt  }
0x43: {  	_ =	shalt  }
0x44: {  	_ =	shalt  }
0x45: {  	_ =	shalt  }
0x46: {  	_ =	shalt  }
0x47: {  	_ =	shalt  }
0x48: {  	_ =	shalt  }
0x49: {  	_ =	shalt  }
0x4a: {  	_ =	shalt  }
0x4b: {  	_ =	shalt  }
0x4c: {  	_ =	shalt  }
0x4d: {  	_ =	shalt  }
0x4e: {  	_ =	shalt  }
0x4f: {  	_ =	shalt  }
0x50: {  	_ =	shalt  }
0x51: {  	_ =	shalt  }
0x52: {  	_ =	shalt  }
0x53: {  	_ =	shalt  }
0x54: {  	_ =	shalt  }
0x55: {  	_ =	shalt  }
0x56: {  	_ =	shalt  }
0x57: {  	_ =	shalt  }
0x58: {  	_ =	shalt  }
0x59: {  	_ =	shalt  }
0x5a: {  	_ =	shalt  }
0x5b: {  	_ =	shalt  }
0x5c: {  	_ =	shalt  }
0x5d: {  	_ =	shalt  }
0x5e: {  	_ =	shalt  }
0x5f: {  	_ =	shalt  }
0x60: {  	_ =	shalt  }
0x61: {  	_ =	shalt  }
0x62: {  	_ =	shalt  }
0x63: {  	_ =	shalt  }
0x64: {  	_ =	shalt  }
0x65: {  	_ =	shalt  }
0x66: {  	_ =	shalt  }
0x67: {  	_ =	shalt  }
0x68: {  	_ =	shalt  }
0x69: {  	_ =	shalt  }
0x6a: {  	_ =	shalt  }
0x6b: {  	_ =	shalt  }
0x6c: {  	_ =	shalt  }
0x6d: {  	_ =	shalt  }
0x6e: {  	_ =	shalt  }
0x6f: {  	_ =	shalt  }
0x70: {  	_ =	shalt  }
0x71: {  	_ =	shalt  }
0x72: {  	_ =	shalt  }
0x73: {  	_ =	shalt  }
0x74: {  	_ =	shalt  }
0x75: {  	_ =	shalt  }
0x76: {  	_ =	shalt  }
0x77: {  	_ =	shalt  }
0x78: {  	_ =	shalt  }
0x79: {  	_ =	shalt  }
0x7a: {  	_ =	shalt  }
0x7b: {  	_ =	shalt  }
0x7c: {  	_ =	shalt  }
0x7d: {  	_ =	shalt  }
0x7e: {  	_ =	shalt  }
0x7f: {  	_ =	shalt  }
0x80: {  	_ =	shalt  }
0x81: {  	_ =	shalt  }
0x82: {  	_ =	shalt  }
0x83: {  	_ =	shalt  }
0x84: {  	_ =	shalt  }
0x85: {  	_ =	shalt  }
0x86: {  	_ =	shalt  }
0x87: {  	_ =	shalt  }
.Lfunc_end0:
.L_simem_size_0:
called_computation_lowered:
.L_overlay_start_0:
0x88: {  	s2 =	sld [smem:$0x3FD9]  }
0x89: {  	s3 =	sld [smem:$0x3FFE];
	_ =	sdelay $0x1  }
0x8a: {  	s1 =	srdreg.scid  }
0x8b: {  	s0 =	sand.u32 $0x1, s1  }
0x8c: {  	s17 =	sshll.u32 s0, $0xA;
	s2 =	sadd.s32 s3, s2  }
0x8d: {  	s2 =	sadd.s32 s2, s17  }
0x8e: {  	[smem:$0x3FC2] =	sst s2  }
0x8f: {  	_ = 	snop  }
0x90: {  	s2 =	sld [smem:$0x3FD0];
	(tm) =	ssettm $0x1  }
0x91: {  	s18 =	sld [smem:$0x3FFB];
	_ =	sdelay $0x3  }
0x92: {  	_ =	strace s18  }
0x93: {  	s3 =	sld [smem:$0x3FFC];
	_ =	sdelay $0x3  }
0x94: {  	_ =	strace s3  }
0x95: {  	s3 =	sld [smem:$0x3FFD];
	_ =	sdelay $0x3  }
0x96: {  	_ =	strace s3  }
0x97: {  	_ =	strace $0x8FFFFFFF  }
0x98: {  	s19 =	sld [smem:$0x3FDB];
	_ =	sdelay $0x1  }
0x99: {  	s4 =	simm.s32 $_scs_section_size  }
0x9a: {  	s5 =	simm.s32 $_size__tile_overlayer_lowered;
	s6 =	simm.s32 $_tile_overlayer_lowered  }
0x9b: {  	s22 =	simm.s32 $0x1BFF;
	s21 =	sshll.u32 s6, $0x1;
	s3 =	sadd.s32 s4, s19  }
0x9c: {  	s7 =	simm.s32 $0x0;
	s20 =	sshll.u32 s5, $0x1;
	s5 =	sadd.s32 s21, s3  }
0x9d: {  	[timem:s7], [sflag:s22] =	dma.local [hbm:s5], s20  }
0x9e: {  	_ =	swait.ge [sflag:s22], s20  }
0x9f: {  	s4 =	ssub.s32 $0x0, s20;
	[sflag:s22] =	ssyncset.done $0x0  }
0xa0: {  	[sflag:s22] =	ssyncadd.s32 s4;
	_ =	sdelay $0x1  }
0xa1: {  	s23 =	simm.s32 $0x1B8B  }
0xa2: {  	_ =	swait.ge [sflag:s23], $0x1  }
0xa3: {  	[sflag:s23] =	ssyncset.done $0x0  }
0xa4: {  	s25 =	simm.s32 $0x1B8E;
	s24 =	sld [smem:$0x3FFE];
	[sflag:s23] =	ssyncadd.s32 $0xFFFFFFFF  }
0xa5: {  	s26 =	simm.s32 $execute0_lowered;
	[smem:$0x3FD2] =	sst s25  }
0xa6: {  	s5 =	sshll.u32 s26, $0x1;
	_ =	strace $0x80000046;
	[dreg:$0x1] =	wrdreg $0xFFFFFFFF  }
0xa7: {  	s28 =	simm.s32 $_size_execute0_lowered;
	s3 =	sadd.s32 s3, s5;
	[dreg:$0x0] =	wrdreg $0x0  }
0xa8: {  	s5 =	sshll.u32 s28, $0x1;
	[dreg:$0x2] =	wrdreg s3  }
0xa9: {  	[dreg:$0x3] =	wrdreg s5  }
0xaa: {  	[dreg:$0x4] =	wrdreg $0xC0  }
0xab: {  	_ =	task [dreg:s7], $0x5FFFF  }
0xac: {  	[dreg:$0x1] =	wrdreg $0xFFFFFFFF  }
0xad: {  	[dreg:$0x0] =	wrdreg $0x60  }
0xae: {  	[dreg:$0x2] =	wrdreg s24  }
0xaf: {  	[dreg:$0x3] =	wrdreg s2  }
0xb0: {  	[dreg:$0x4] =	wrdreg $0x68000  }
0xb1: {  	[dreg:$0x5] =	wrdreg $0x9  }
0xb2: {  	_ =	task.clear_ibuf [dreg:s7], $0x6FFFF;
	_ =	strace $0x90000046  }
0xb3: {  	s29 =	simm.s32 $0x9;
	_ =	strace $0x80000048  }
0xb4: {  	_ =	swait.ge [sflag:s29], $0x1  }
0xb5: {  	[sflag:s29] =	ssyncadd.s32 $0xFFFFFFFF  }
0xb6: {  	_ =	strace $0x90000048  }
0xb7: {  	_ =	sfence  }
0xb8: {  	s30 =	sld [smem:$0x0];
	_ =	sdelay $0x2  }
0xb9: {  	s31 =	sshll.u32 s1, $0xD;
	s1 =	sshrl.u32 s1, $0x2  }
0xba: {  	s3 =	sand.u32 $0x4000, s31;
	s1 =	sadd.s32 s1, s30  }
0xbb: {  	s0 =	sor.u32 s3, s0;
	s1 =	sshll.u32 s1, $0x11  }
0xbc: {  	s0 =	sor.u32 s1, s0  }
0xbd: {  	s0 =	sadd.s32 $0x8F2B, s0  }
0xbe: {  	[sflag:s0] =	ssyncadd.remote.s32 $0x1  }
0xbf: {  	_ =	sfence.sel $0xFFFF  }
0xc0: {  	[dreg:$0x0] =	wrdreg $0xFFFFFFFF;
	(pc) =	sbr.abs _section_cstart, $3  }
0xc1: {  	[dreg:$0x1] =	wrdreg $0xFFFFFFFF  }
0xc2: {  	_ =	task.clear_ibuf [dreg:s7], $0x2FFFF;
	_ =	strace $0x9FFFFFFF  }
0xc3: {  	(tm) =	ssettm $0x7FFFFFFF  }
tec
execute0_lowered:
.L_overlay_start_1:
0x0: {  	(tag) =	ssettag $0x1  }
0x1: {  	s6 =	rddreg [dreg:$0x0]  }
0x2: {  	s1 =	srdreg.scid;
	s2 =	rddreg [dreg:$0x1]  }
0x3: {  	s0 =	stileid.u32;
	s3 =	rddreg [dreg:$0x2];
	s4 =	simm.s32 $0x0  }
0x4: {  	s13 =	simm.s32 $0x80;
	s14 =	simm.s32 $0x0;
	s9 =	smul.u32 $0x13C00, s0  }
0x5: {  	s7 =	sand.u32 $0x1, s1;
	s28 =	sshll.u32 s0, $0x1;
	s29 =	smul.u32 $0x4F000, s0  }
0x6: {  	[smem:$0x7FF] =	sst s4;
	s1 =	sor.u32 s7, s28;
	s8 =	smul.u32 $0x13C000, s7  }
0x7: {  	s31 =	sshll.u32 s0, $0x6;
	s7 =	ssub.s32 $0x2, s7;
	s5 =	smul.u32 $0x500, s1  }
0x8: {  	s1 =	rddreg [dreg:$0x3];
	_ =	strace $0x80000047;
	s30 =	sshrl.u32 s7, $0x1  }
0x9: {  	s8 =	sadd.s32 s9, s8;
	s9 =	sshrl.u32 s29, $0x2;
	s11 =	ssub.s32 s7, s30  }
0xa: {  	s10 =	sadd.s32 s5, s6;
	s5 =	sadd.s32 $0x16A00, s6;
	s8 =	sshrl.u32 s8, $0x3  }
0xb: {  	s12 =	sadd.s32 s9, s3;
	s9 =	simm.s32 $0x1;
	s8 =	sadd.s32 s8, s6  }
0xc: {  	s6 =	sadd.s32 $0x2A00, s10;
	s10 =	simm.s32 $0x2800;
	s12 =	sshrl.u32 s12, $0x3  }
0xd: {  	s7 =	sadd.s32 $0x19200, s8;
	s8 =	smax.u32 s11, $0x1;
	s11 =	sor.u32 $0x1C01, s31  }
.LBB2_1:
0xe: {  	[tilespmem:s4], [sflag:$0x1] =	stream.linear.gather [hbm4b:s6+s4], $0x2800, $0x38;
	[tilespmem:$0x1A400] =	vst v63  }
0xf: {  	_ =	swait.ge [sflag:s9], $0x2800  }
0x10: {  	[sflag:s9] =	ssyncset.done $0x0  }
0x11: {  	[sflag:s9] =	ssyncadd.s32 $0xFFFFD800  }
0x12: {  	[tilespmem:s10], [sflag:$0x1] =	stream.linear.gather [hbm4b:s2+s4], $0x4000, $0x38;
	[tilespmem:$0x1A400] =	vst v63  }
0x13: {  	_ =	swait.ge [sflag:s9], $0x4000  }
0x14: {  	[sflag:s9] =	ssyncset.done $0x0  }
0x15: {  	[sflag:s9] =	ssyncadd.s32 $0xFFFFC000  }
0x16: {  	[spmem:s12], [sflag:s11] =	dma.local [hbm:s5], $0x2780  }
0x17: {  	_ =	swait.ge [sflag:s9], $0x2780  }
0x18: {  	[sflag:s9] =	ssyncset.done $0x0  }
0x19: {  	[sflag:s9] =	ssyncadd.s32 $0xFFFFD880  }
0x1a: {  	s15 =	simm.s32 $0x0;
	[bflag:$0x0] =	sbarrier.arrive $0xFFFF  }
0x1b: {  	[spmem:s3] =	stream.indirect.scatter.add.f32 [tilespmem:s10], [sflag:$0x1], $0x80, s15, s13, $0xb8;
	[tilespmem:$0x1A400] =	vst v63  }
0x1c: {  	_ =	swait.ge [sflag:s9], $0x4000  }
0x1d: {  	s15 =	simm.s32 $0x200;
	[sflag:s9] =	ssyncset.done $0x0  }
.LBB2_2:
0x1e: {  	s16 =	sshra.s32 s15, $0x2;
	[sflag:s9] =	ssyncadd.s32 $0xFFFFC000;
	p0 =	sne.s32 s15, $0x9E00  }
0x1f: {  	[spmem:s3] =	stream.indirect.scatter.add.f32 [tilespmem:s10], [sflag:$0x1], $0x80, s16, s13, $0xb8;
	[tilespmem:$0x1A400] =	vst v63  }
.Ltmp0:
0x20: {  	_ = 	snop;
	(pc) =	sbr.rel @p0 .LBB2_2-.Ltmp0, $4  }
0x21: {  	_ = 	snop  }
0x22: {  	s15 =	sadd.s32 $0x200, s15  }
0x23: {  	_ =	swait.ge [sflag:s9], $0x4000  }
0x24: {  	[sflag:s9] =	ssyncset.done $0x0  }
0x25: {  	s14 =	sadd.s32 $0x1, s14  }
0x26: {  	[sflag:s9] =	ssyncadd.s32 $0xFFFFC000;
	p0 =	sne.s32 s14, s8  }
.Ltmp1:
0x27: {  	[bflag:$0x0] =	sbarrier.arrive $0xFFFF;
	(pc) =	sbr.rel @p0 .LBB2_1-.Ltmp1, $4  }
0x28: {  	[hbm:s7], [sflag:s11] =	dma.local [spmem:s12], $0x2780  }
0x29: {  	_ =	swait.ge [sflag:s9], $0x2780  }
0x2a: {  	[sflag:s9] =	ssyncset.done $0x0  }
0x2b: {  	[sflag:s9] =	ssyncadd.s32 $0xFFFFD880  }
0x2c: {  	_ =	sfence.sel $0x180000  }
0x2d: {  	[bflag:$0x0] =	sbarrier.arrive $0xFFFF  }
0x2e: {  	p0 =	sne.s32 s0, $0x0;
	_ =	strace $0x90000047  }
0x2f: {  	s0 =	sadd.s32 @!p0 $0x100000, s1;
	[bflag:$0x2] =	sbarrier.arrive $0xFFFF  }
0x30: {  	[sflag:s0] =	ssyncadd.tile.s32 @!p0 $0x1;
	_ =	shalt  }
.Lfunc_end2:
_tile_overlayer_lowered:
.L_overlay_start_2:
0x31: {  	(tag) =	ssettag $0x2  }
0x32: {  	s0 =	rddreg [dreg:$0x0];
	s2 =	stileid.u32  }
0x33: {  	s1 =	rddreg [dreg:$0x1];
	p0 =	sne.s32 s2, $0x0  }
0x34: {  	s3 =	rddreg [dreg:$0x2];
	[bflag:$0x3] =	sbarrier.arrive $0xFFFF;
	s2 =	simm.s32 @!p0 $0x1C01  }
0x35: {  	[timem:s3], [sflag:s2] =	dma.local @!p0 [hbm:s0], s1  }
0x36: {  	s0 =	simm.s32 @!p0 $0x1  }
0x37: {  	_ =	swait.ge @!p0 [sflag:s0], s1  }
0x38: {  	s1 =	ssub.s32 @!p0 $0x0, s1;
	[sflag:s0] =	ssyncset.done @!p0 $0x0  }
0x39: {  	[sflag:s0] =	ssyncadd.s32 @!p0 s1  }
0x3a: {  	[bflag:$0x3] =	sbarrier.arrive $0xFFFF  }
0x3b: {  	_ =	shalt  }

</sc_bundles>
